<compile_context>
chip_gen: v7x
topology: tpu7x:2x2x1
jax: 0.10.2.dev20260603
libtpu: 0.0.44.dev20260713+nightly
codegen_flags: <defaults>
</compile_context>

<pallas_src>
import functools

import numpy as np
import jax
import jax.numpy as jnp
from jax import lax
from jax.experimental import pallas as pl
from jax.experimental.pallas import tpu as pltpu
from jax.experimental.pallas import tpu_sc as plsc

BOX = 10.0
ALPHA = 2.8
R_ONSET = 1.7
R_CUTOFF = 2.0
NSIDE = 5
NCELLS = NSIDE ** 3


def _cell_adjacency() -> np.ndarray:
    ids = np.arange(NCELLS)
    x, rem = divmod(ids, NSIDE * NSIDE)
    y, z = divmod(rem, NSIDE)
    def near(a, b):
        d = np.abs(a[:, None] - b[None, :])
        return np.minimum(d, NSIDE - d) <= 1
    adj = near(x, x) & near(y, y) & near(z, z)
    return adj.astype(np.float32)


_ADJ = _cell_adjacency()

_SC_CORES = 2
_SC_SUBCORES = 16


def _sc_permute_rows(table, idx):
    n, d = table.shape
    nw = _SC_CORES * _SC_SUBCORES
    b_per_w = n // nw
    mesh = plsc.VectorSubcoreMesh(core_axis_name="c", subcore_axis_name="s")

    @functools.partial(
        pl.kernel,
        out_type=jax.ShapeDtypeStruct((n, d), jnp.float32),
        mesh=mesh,
        compiler_params=pltpu.CompilerParams(use_tc_tiling_on_sc=False),
        scratch_types=[
            pltpu.VMEM((b_per_w,), jnp.int32),
            pltpu.VMEM((b_per_w, d), jnp.float32),
            pltpu.SemaphoreType.DMA,
        ],
    )
    def gather_kernel(table_hbm, idx_hbm, out_hbm, idx_v, rows_v, sem):
        wid = lax.axis_index("s") * _SC_CORES + lax.axis_index("c")
        base = wid * b_per_w
        pltpu.sync_copy(idx_hbm.at[pl.ds(base, b_per_w)], idx_v)
        pltpu.async_copy(table_hbm.at[idx_v], rows_v, sem).wait()
        pltpu.sync_copy(rows_v, out_hbm.at[pl.ds(base, b_per_w)])

    return gather_kernel(table, idx)


def _prologue_kernel(ct_ref, ctt_ref, cad_ref, rrow_ref, rcol_ref,
                     arow_ref, brow_ref, oht_ref, dcorr_ref):
    sig8 = rcol_ref[...] + rrow_ref[...]
    eps8 = cad_ref[...]
    e_sig = jnp.exp(ALPHA * sig8)
    a8 = eps8 * e_sig * e_sig
    b8 = 2.0 * eps8 * e_sig

    ct = ct_ref[...]
    n = ct.shape[0]
    mx = jnp.max(ct, axis=1, keepdims=True)
    iota = jax.lax.broadcasted_iota(jnp.int32, (n, 8), 1)
    idx = jnp.min(jnp.where(ct == mx, iota, 8), axis=1, keepdims=True)
    idx = jnp.where(jnp.sum(ct, axis=1, keepdims=True) > 0.0, idx, 0)
    oh = (iota == idx).astype(jnp.float32)
    arow_ref[...] = jnp.dot(oh, a8, preferred_element_type=jnp.float32)
    brow_ref[...] = jnp.dot(oh, b8, preferred_element_type=jnp.float32)

    ctt = ctt_ref[...]
    mxt = jnp.max(ctt, axis=0, keepdims=True)
    iota_t = jax.lax.broadcasted_iota(jnp.int32, (8, n), 0)
    idx_t = jnp.min(jnp.where(ctt == mxt, iota_t, 8), axis=0, keepdims=True)
    idx_t = jnp.where(jnp.sum(ctt, axis=0, keepdims=True) > 0.0, idx_t, 0)
    oht_ref[...] = (iota_t == idx_t).astype(jnp.float32)

    t1 = float(np.exp(-ALPHA))
    diag_iota = jax.lax.broadcasted_iota(jnp.int32, (8, 8), 0)
    eye8 = (diag_iota == jax.lax.broadcasted_iota(jnp.int32, (8, 8), 1))
    a_d = jnp.sum(jnp.where(eye8, a8, 0.0), axis=1, keepdims=True)
    b_d = jnp.sum(jnp.where(eye8, b8, 0.0), axis=1, keepdims=True)
    av = jnp.dot(oh, a_d, preferred_element_type=jnp.float32)
    bv = jnp.dot(oh, b_d, preferred_element_type=jnp.float32)
    dcorr_ref[...] = jnp.sum((av * t1 - bv) * t1).reshape(1, 1)


def _tile_kernel(chunks_ref, counts_ref, pr_ref, arow_ref, brow_ref,
                 pc_ref, oht_ref, out_ref, *, tr, cc):
    i = pl.program_id(0)

    pr = pr_ref[...]
    arow = arow_ref[...]
    brow = brow_ref[...]

    r_on2 = R_ONSET * R_ONSET
    r_c2 = R_CUTOFF * R_CUTOFF
    inv_den = 1.0 / (r_c2 - r_on2) ** 3

    def chunk_u(c):
        pc = pc_ref[c]
        oht = oht_ref[c]
        a_t = jnp.dot(arow, oht, preferred_element_type=jnp.float32)
        b_t = jnp.dot(brow, oht, preferred_element_type=jnp.float32)

        dr2 = jnp.zeros((tr, cc), jnp.float32)
        for kk in range(3):
            d = pr[:, kk:kk + 1] - pc[kk:kk + 1, :]
            d = d - BOX * jnp.round(d * (1.0 / BOX))
            dr2 = dr2 + d * d

        safe = jnp.where(dr2 > 0.0, dr2, 1.0)
        r = jnp.sqrt(safe)
        t = jnp.exp(-ALPHA * r)
        x = jnp.minimum(jnp.maximum(r * r, r_on2), r_c2)
        s = ((r_c2 - x) ** 2 * (r_c2 + 2.0 * x - 3.0 * r_on2)) * inv_den
        u = (a_t * t - b_t) * (t * s)
        return jnp.sum(u.reshape(tr // 8, 8, cc), axis=0)

    def body(k, acc):
        return acc + chunk_u(chunks_ref[i, k])

    acc = jax.lax.fori_loop(0, counts_ref[i], body,
                            jnp.zeros((8, cc), jnp.float32))
    total = 0.5 * (jnp.sum(chunk_u(i)) + 2.0 * jnp.sum(acc))

    @pl.when(i == 0)
    def _():
        out_ref[...] = jnp.zeros((1, 1), jnp.float32)

    out_ref[...] += total.reshape(1, 1)


def kernel(positions, celltype, cadherin, radius):
    n = positions.shape[0]
    tr, cc = 128, 128
    nr, nk = n // tr, n // cc

    ci = jnp.floor(positions * (NSIDE / BOX)).astype(jnp.int32)
    ci = jnp.clip(ci, 0, NSIDE - 1)
    cid = (ci[:, 0] * NSIDE + ci[:, 1]) * NSIDE + ci[:, 2]
    perm = jnp.argsort(cid).astype(jnp.int32)
    table = jnp.concatenate(
        [positions, celltype, cid[:, None].astype(jnp.float32),
         jnp.zeros((n, 4), jnp.float32)], axis=1)
    table_s = _sc_permute_rows(table, perm)
    pos_s = table_s[:, 0:3]
    ct_s = table_s[:, 3:11]
    cid_s = table_s[:, 11].astype(jnp.int32)

    oh_cell = (cid_s[:, None] == jnp.arange(NCELLS)[None, :])
    pres_r = jnp.any(oh_cell.reshape(nr, tr, NCELLS), axis=1)
    pres_c = jnp.any(oh_cell.reshape(nk, cc, NCELLS), axis=1)
    adj = jnp.asarray(_ADJ)
    reach = pres_r.astype(jnp.float32) @ adj
    active = (reach @ pres_c.T.astype(jnp.float32)) > 0.0
    rows = jnp.broadcast_to(jnp.arange(nr)[:, None], (nr, nk))
    cols = jnp.broadcast_to(jnp.arange(nk)[None, :], (nr, nk))
    upper = active & (cols > rows)
    counts = jnp.sum(upper, axis=1, dtype=jnp.int32)
    slot = jnp.cumsum(upper, axis=1) - 1
    chunk_list = jnp.zeros((nr, nk), jnp.int32).at[
        rows.ravel(),
        jnp.where(upper, slot, nk).ravel()
    ].set(cols.astype(jnp.int32).ravel(), mode='drop')

    pos_row = table_s[:, 0:8]
    pos_col3 = jnp.transpose(pos_row.T.reshape(8, nk, cc), (1, 0, 2))
    cad8 = jnp.reshape(cadherin, (8, 8))
    cad8 = 0.5 * (cad8 + cad8.T)
    r8_row = jnp.reshape(radius[:8, 0], (1, 8))
    r8_col = jnp.reshape(radius[:8, 0], (8, 1))

    arow, brow, oht, dcorr = pl.pallas_call(
        _prologue_kernel,
        out_shape=[
            jax.ShapeDtypeStruct((n, 8), jnp.float32),
            jax.ShapeDtypeStruct((n, 8), jnp.float32),
            jax.ShapeDtypeStruct((8, n), jnp.float32),
            jax.ShapeDtypeStruct((1, 1), jnp.float32),
        ],
    )(ct_s, ct_s.T, cad8, r8_row, r8_col)
    oht3 = jnp.transpose(oht.reshape(8, nk, cc), (1, 0, 2))

    out = pl.pallas_call(
        functools.partial(_tile_kernel, tr=tr, cc=cc),
        grid_spec=pltpu.PrefetchScalarGridSpec(
            num_scalar_prefetch=2,
            grid=(nr,),
            in_specs=[
                pl.BlockSpec((tr, 8), lambda i, *_: (i, 0)),
                pl.BlockSpec((tr, 8), lambda i, *_: (i, 0)),
                pl.BlockSpec((tr, 8), lambda i, *_: (i, 0)),
                pl.BlockSpec((nk, 8, cc), lambda i, *_: (0, 0, 0)),
                pl.BlockSpec((nk, 8, cc), lambda i, *_: (0, 0, 0)),
            ],
            out_specs=pl.BlockSpec((1, 1), lambda i, *_: (0, 0)),
        ),
        out_shape=jax.ShapeDtypeStruct((1, 1), jnp.float32),
    )(chunk_list, counts, pos_row, arow, brow, pos_col3, oht3)
    return jnp.reshape(out, ()) - 0.5 * jnp.reshape(dcorr, ())

# --- scband reference (transcript-rebuilt; emitter-appended) ---
"""Pipeline reference for scband-morse-potential-cadherin-56624848830813 (READ-ONLY COPY).

The authoritative reference and input builder live on the scoring server;
editing this copy changes nothing except your own understanding.
"""

import jax, jax.numpy as jnp
import numpy as np

BOX = 10.0
ALPHA = 2.8
R_ONSET = 1.7
R_CUTOFF = 2.0


def setup_inputs(seed: int = 0) -> dict:
    key = jax.random.key(seed)
    k1, k2, k3, k4 = jax.random.split(key, 4)
    N, C = 4096, 8
    positions = jax.random.uniform(k1, (N, 3), dtype=jnp.float32) * BOX
    celltype = jax.random.uniform(k2, (N, C), dtype=jnp.float32)
    cadherin = jax.random.uniform(k3, (C * C,), dtype=jnp.float32) * 2.0
    radius = jax.random.uniform(k4, (N, 1), dtype=jnp.float32) * 0.4 + 0.3
    return {"positions": positions, "celltype": celltype, "cadherin": cadherin, "radius": radius}


def _smooth(r):
    # jax_md multiplicative isotropic cutoff smoothing S(r)
    r2 = r * r
    r_on2 = R_ONSET ** 2
    r_c2 = R_CUTOFF ** 2
    mid = ((r_c2 - r2) ** 2 * (r_c2 + 2.0 * r2 - 3.0 * r_on2)) / (r_c2 - r_on2) ** 3
    return jnp.where(r < R_ONSET, 1.0, jnp.where(r < R_CUTOFF, mid, 0.0))


def reference(positions, celltype, cadherin, radius):
    N = positions.shape[0]
    C = celltype.shape[1]
    # _calculate_epsilon_matrix
    epsilon_matrix = jnp.reshape(cadherin, (C, C))
    # _calculate_sigma_matrix (radius is [N,1] so this is an NxN matrix, as in the original)
    sigma_matrix = radius + radius.T
    # species assignment
    species = jnp.argmax(celltype, axis=1).astype(jnp.int32)
    species = jnp.where(celltype.sum(-1) > 0.0, species, 0)
    # periodic minimum-image pairwise distances in a box of size 10.0
    dr2 = jnp.zeros((N, N), dtype=positions.dtype)
    for k in range(3):
        d = positions[:, k][:, None] - positions[:, k][None, :]
        d = d - BOX * jnp.round(d / BOX)
        dr2 = dr2 + d * d
    mask = 1.0 - jnp.eye(N, dtype=positions.dtype)
    safe = jnp.where(dr2 > 0.0, dr2, 1.0)
    r = jnp.sqrt(safe)
    # species-indexed pair parameters (as jax_md morse with species would index)
    si = species[:, None]
    sj = species[None, :]
    eps = epsilon_matrix[si, sj]
    sig = sigma_matrix[si, sj]
    # jax_md morse: U(r) = eps * (1 - exp(-alpha * (r - sigma)))^2 - eps
    U = eps * (1.0 - jnp.exp(-ALPHA * (r - sig))) ** 2 - eps
    U = U * _smooth(r) * mask
    # per_particle=False -> total energy, each pair counted once
    return 0.5 * jnp.sum(U)

if __name__ == "__main__":
    import jax
    _d = setup_inputs()
    print(jax.jit(kernel)(*tuple(_d.values())))

</pallas_src>

<mosaic_0001>
#map = affine_map<(d0, d1) -> (0, 0)>
#map1 = affine_map<(d0, d1) -> (0)>
module attributes {stable_mosaic.version = 14 : i64} {
  func.func @gather_kernel(%arg0: i32, %arg1: i32, %arg2: memref<4096x16xf32, #tpu.memory_space<hbm>>, %arg3: memref<4096xi32, #tpu.memory_space<hbm>>, %arg4: memref<4096x16xf32, #tpu.memory_space<hbm>>, %arg5: memref<128xi32, #tpu.memory_space<vmem>>, %arg6: memref<128x16xf32, #tpu.memory_space<vmem>>, %arg7: memref<!tpu.dma_semaphore, #tpu.memory_space<semaphore_mem>>) attributes {dimension_semantics = [#tpu.dimension_semantics<core_parallel>, #tpu.dimension_semantics<subcore_parallel>], iteration_bounds = array<i64: 2, 16>, scalar_prefetch = 0 : i64, scratch_operands = 3 : i64, tpu.core_type = #tpu.core_type<sc_vector_subcore>, window_params = [{transform_indices = #map}, {transform_indices = #map1}, {transform_indices = #map}]} {
    %mul3A = arith.constant 2 : i32
    %mul3A_0 = arith.muli %arg1, %mul3A : i32
    %add3A = arith.addi %mul3A_0, %arg0 : i32
    %mul3A_1 = arith.constant 128 : i32
    %mul3A_2 = arith.muli %add3A, %mul3A_1 : i32
    "tpu.region"() ({
      %run_scoped3A = tpu.sem_alloc : memref<!tpu.dma_semaphore, #tpu.memory_space<semaphore_mem>>
      %dma_start3A_7 = tpu.memref_slice %arg3[%mul3A_2] : memref<4096xi32, #tpu.memory_space<hbm>> -> memref<128xi32, #tpu.memory_space<hbm>>
      %dma_start3A_8 = tpu.memref_slice %arg3[%mul3A_2] : memref<4096xi32, #tpu.memory_space<hbm>> -> memref<128xi32, #tpu.memory_space<hbm>>
      tpu.enqueue_dma source(%dma_start3A_8 : memref<128xi32, #tpu.memory_space<hbm>>) target(%arg5 : memref<128xi32, #tpu.memory_space<vmem>>) target_semaphore(%run_scoped3A : memref<!tpu.dma_semaphore, #tpu.memory_space<semaphore_mem>>)
      %dma_wait3A_9 = tpu.memref_slice %arg3[%mul3A_2] : memref<4096xi32, #tpu.memory_space<hbm>> -> memref<128xi32, #tpu.memory_space<hbm>>
      %dma_wait3A_10 = tpu.memref_slice %arg3[%mul3A_2] : memref<4096xi32, #tpu.memory_space<hbm>> -> memref<128xi32, #tpu.memory_space<hbm>>
      tpu.wait_dma2 semaphore(%run_scoped3A : memref<!tpu.dma_semaphore, #tpu.memory_space<semaphore_mem>>) src(%dma_wait3A_10 : memref<128xi32, #tpu.memory_space<hbm>>) dst(%arg5 : memref<128xi32, #tpu.memory_space<vmem>>)
      tpu.yield
    }) : () -> ()
    %dma_start3A = arith.constant 0 : i32
    %dma_start3A_3 = arith.constant 0 : i32
    %dma_start3A_4 = tpu.memref_slice %arg2[%dma_start3A, %dma_start3A_3] : memref<4096x16xf32, #tpu.memory_space<hbm>> -> memref<4096x16xf32, #tpu.memory_space<hbm>>
    tpu.enqueue_indirect_dma source(%dma_start3A_4 : memref<4096x16xf32, #tpu.memory_space<hbm>>) target(%arg6 : memref<128x16xf32, #tpu.memory_space<vmem>>) offsets(%arg5 : memref<128xi32, #tpu.memory_space<vmem>>) semaphore(%arg7 : memref<!tpu.dma_semaphore, #tpu.memory_space<semaphore_mem>>)
    %dma_wait3A = arith.constant 0 : i32
    %dma_wait3A_5 = arith.constant 0 : i32
    %dma_wait3A_6 = tpu.memref_slice %arg2[%dma_wait3A, %dma_wait3A_5] : memref<4096x16xf32, #tpu.memory_space<hbm>> -> memref<4096x16xf32, #tpu.memory_space<hbm>>
    tpu.wait_indirect_dma semaphore(%arg7 : memref<!tpu.dma_semaphore, #tpu.memory_space<semaphore_mem>>) src(%dma_wait3A_6 : memref<4096x16xf32, #tpu.memory_space<hbm>>) dst(%arg6 : memref<128x16xf32, #tpu.memory_space<vmem>>)
    "tpu.region"() ({
      %run_scoped3A = tpu.sem_alloc : memref<!tpu.dma_semaphore, #tpu.memory_space<semaphore_mem>>
      %dma_start3A_7 = arith.constant 0 : i32
      %dma_start3A_8 = tpu.memref_slice %arg4[%mul3A_2, %dma_start3A_7] : memref<4096x16xf32, #tpu.memory_space<hbm>> -> memref<128x16xf32, #tpu.memory_space<hbm>>
      %dma_start3A_9 = arith.constant 0 : i32
      %dma_start3A_10 = tpu.memref_slice %arg4[%mul3A_2, %dma_start3A_9] : memref<4096x16xf32, #tpu.memory_space<hbm>> -> memref<128x16xf32, #tpu.memory_space<hbm>>
      tpu.enqueue_dma source(%arg6 : memref<128x16xf32, #tpu.memory_space<vmem>>) target(%dma_start3A_10 : memref<128x16xf32, #tpu.memory_space<hbm>>) target_semaphore(%run_scoped3A : memref<!tpu.dma_semaphore, #tpu.memory_space<semaphore_mem>>)
      %dma_wait3A_11 = arith.constant 0 : i32
      %dma_wait3A_12 = tpu.memref_slice %arg4[%mul3A_2, %dma_wait3A_11] : memref<4096x16xf32, #tpu.memory_space<hbm>> -> memref<128x16xf32, #tpu.memory_space<hbm>>
      %dma_wait3A_13 = arith.constant 0 : i32
      %dma_wait3A_14 = tpu.memref_slice %arg4[%mul3A_2, %dma_wait3A_13] : memref<4096x16xf32, #tpu.memory_space<hbm>> -> memref<128x16xf32, #tpu.memory_space<hbm>>
      tpu.wait_dma2 semaphore(%run_scoped3A : memref<!tpu.dma_semaphore, #tpu.memory_space<semaphore_mem>>) src(%arg6 : memref<128x16xf32, #tpu.memory_space<vmem>>) dst(%dma_wait3A_14 : memref<128x16xf32, #tpu.memory_space<hbm>>)
      tpu.yield
    }) : () -> ()
    return
  }
}

module attributes {stable_mosaic.version = 14 : i64} {
  func.func @_prologue_kernel(%arg0: memref<4096x8xf32, #tpu.memory_space<vmem>>, %arg1: memref<8x4096xf32, #tpu.memory_space<vmem>>, %arg2: memref<8x8xf32, #tpu.memory_space<vmem>>, %arg3: memref<1x8xf32, #tpu.memory_space<vmem>>, %arg4: memref<8x1xf32, #tpu.memory_space<vmem>>, %arg5: memref<4096x8xf32, #tpu.memory_space<vmem>>, %arg6: memref<4096x8xf32, #tpu.memory_space<vmem>>, %arg7: memref<8x4096xf32, #tpu.memory_space<vmem>>, %arg8: memref<1x1xf32, #tpu.memory_space<vmem>>) attributes {dimension_semantics = [], scalar_prefetch = 0 : i64, scratch_operands = 0 : i64, tpu.core_type = #tpu.core_type<tc>} {
    %get3A = arith.constant 0 : index
    %get3A_0 = arith.constant 0 : index
    %get3A_1 = vector.load %arg4[%get3A, %get3A_0] : memref<8x1xf32, #tpu.memory_space<vmem>>, vector<8x1xf32>
    %get3A_2 = arith.constant 0 : index
    %get3A_3 = arith.constant 0 : index
    %get3A_4 = vector.load %arg3[%get3A_2, %get3A_3] : memref<1x8xf32, #tpu.memory_space<vmem>>, vector<1x8xf32>
    %add3A = vector.broadcast %get3A_1 : vector<8x1xf32> to vector<8x8xf32>
    %add3A_5 = vector.broadcast %get3A_4 : vector<1x8xf32> to vector<8x8xf32>
    %add3A_6 = arith.addf %add3A, %add3A_5 : vector<8x8xf32>
    %get3A_7 = arith.constant 0 : index
    %get3A_8 = arith.constant 0 : index
    %get3A_9 = vector.load %arg2[%get3A_7, %get3A_8] : memref<8x8xf32, #tpu.memory_space<vmem>>, vector<8x8xf32>
    %mul3A = arith.constant 2.800000e+00 : f32
    %mul3A_10 = vector.broadcast %mul3A : f32 to vector<8x8xf32>
    %mul3A_11 = arith.mulf %mul3A_10, %add3A_6 : vector<8x8xf32>
    %exp3A = math.exp %mul3A_11 : vector<8x8xf32>
    %mul3A_12 = arith.mulf %get3A_9, %exp3A : vector<8x8xf32>
    %mul3A_13 = arith.mulf %mul3A_12, %exp3A : vector<8x8xf32>
    %mul3A_14 = arith.constant 2.000000e+00 : f32
    %mul3A_15 = vector.broadcast %mul3A_14 : f32 to vector<8x8xf32>
    %mul3A_16 = arith.mulf %mul3A_15, %get3A_9 : vector<8x8xf32>
    %mul3A_17 = arith.mulf %mul3A_16, %exp3A : vector<8x8xf32>
    %get3A_18 = arith.constant 0 : index
    %get3A_19 = arith.constant 0 : index
    %get3A_20 = vector.load %arg0[%get3A_18, %get3A_19] : memref<4096x8xf32, #tpu.memory_space<vmem>>, vector<4096x8xf32>
    %reduce_max3A = arith.constant dense<0xFF800000> : vector<4096xf32>
    %reduce_max3A_21 = vector.multi_reduction <maximumf>, %get3A_20, %reduce_max3A [1] : vector<4096x8xf32> to vector<4096xf32>
    %broadcast_in_dim3A = vector.shape_cast %reduce_max3A_21 : vector<4096xf32> to vector<4096x1xf32>
    %iota3A = tpu.iota {dimensions = array<i32: 1>} : vector<4096x8xi32>
    %eq3A = vector.broadcast %broadcast_in_dim3A : vector<4096x1xf32> to vector<4096x8xf32>
    %eq3A_22 = arith.cmpf oeq, %get3A_20, %eq3A : vector<4096x8xf32>
    %jit3A = arith.constant 8 : i32
    %broadcast_in_dim3A_23 = vector.broadcast %jit3A : i32 to vector<4096x8xi32>
    %select_n3A = arith.select %eq3A_22, %iota3A, %broadcast_in_dim3A_23 : vector<4096x8xi1>, vector<4096x8xi32>
    %reduce_min3A = arith.constant dense<2147483647> : vector<4096xi32>
    %reduce_min3A_24 = vector.multi_reduction <minsi>, %select_n3A, %reduce_min3A [1] : vector<4096x8xi32> to vector<4096xi32>
    %broadcast_in_dim3A_25 = vector.shape_cast %reduce_min3A_24 : vector<4096xi32> to vector<4096x1xi32>
    %reduce_sum3A = arith.constant dense<0.000000e+00> : vector<4096xf32>
    %reduce_sum3A_26 = vector.multi_reduction <add>, %get3A_20, %reduce_sum3A [1] : vector<4096x8xf32> to vector<4096xf32>
    %broadcast_in_dim3A_27 = vector.shape_cast %reduce_sum3A_26 : vector<4096xf32> to vector<4096x1xf32>
    %gt3A = arith.constant 0.000000e+00 : f32
    %gt3A_28 = vector.broadcast %gt3A : f32 to vector<4096x1xf32>
    %gt3A_29 = arith.cmpf ogt, %broadcast_in_dim3A_27, %gt3A_28 : vector<4096x1xf32>
    %jit3A_30 = arith.constant 0 : i32
    %broadcast_in_dim3A_31 = vector.broadcast %jit3A_30 : i32 to vector<4096x1xi32>
    %select_n3A_32 = arith.select %gt3A_29, %broadcast_in_dim3A_25, %broadcast_in_dim3A_31 : vector<4096x1xi1>, vector<4096x1xi32>
    %eq3A_33 = vector.broadcast %select_n3A_32 : vector<4096x1xi32> to vector<4096x8xi32>
    %eq3A_34 = arith.cmpi eq, %iota3A, %eq3A_33 : vector<4096x8xi32>
    %convert_element_type3A = arith.extui %eq3A_34 : vector<4096x8xi1> to vector<4096x8xi32>
    %convert_element_type3A_35 = arith.sitofp %convert_element_type3A : vector<4096x8xi32> to vector<4096x8xf32>
    %dot_general3A = arith.constant dense<0.000000e+00> : vector<4096x8xf32>
    %dot_general3A_36 = tpu.matmul %convert_element_type3A_35, %mul3A_13, %dot_general3A {dimension_numbers = #tpu.dot_dimension_numbers<[1], [0], [0], [1], [0, 0, 1, 1], [], []>, transpose_lhs_hint = false} : vector<4096x8xf32>, vector<8x8xf32>, vector<4096x8xf32> -> vector<4096x8xf32>
    %swap3A = arith.constant 0 : index
    %swap3A_37 = arith.constant 0 : index
    %swap3A_38 = vector.load %arg5[%swap3A, %swap3A_37] : memref<4096x8xf32, #tpu.memory_space<vmem>>, vector<4096x8xf32>
    tpu.vector_store %arg5[%swap3A, %swap3A_37], %dot_general3A_36 {strides = array<i32>} : memref<4096x8xf32, #tpu.memory_space<vmem>>, vector<4096x8xf32>,
    %dot_general3A_39 = arith.constant dense<0.000000e+00> : vector<4096x8xf32>
    %dot_general3A_40 = tpu.matmul %convert_element_type3A_35, %mul3A_17, %dot_general3A_39 {dimension_numbers = #tpu.dot_dimension_numbers<[1], [0], [0], [1], [0, 0, 1, 1], [], []>, transpose_lhs_hint = false} : vector<4096x8xf32>, vector<8x8xf32>, vector<4096x8xf32> -> vector<4096x8xf32>
    %swap3A_41 = arith.constant 0 : index
    %swap3A_42 = arith.constant 0 : index
    %swap3A_43 = vector.load %arg6[%swap3A_41, %swap3A_42] : memref<4096x8xf32, #tpu.memory_space<vmem>>, vector<4096x8xf32>
    tpu.vector_store %arg6[%swap3A_41, %swap3A_42], %dot_general3A_40 {strides = array<i32>} : memref<4096x8xf32, #tpu.memory_space<vmem>>, vector<4096x8xf32>,
    %get3A_44 = arith.constant 0 : index
    %get3A_45 = arith.constant 0 : index
    %get3A_46 = vector.load %arg1[%get3A_44, %get3A_45] : memref<8x4096xf32, #tpu.memory_space<vmem>>, vector<8x4096xf32>
    %reduce_max3A_47 = arith.constant dense<0xFF800000> : vector<4096xf32>
    %reduce_max3A_48 = vector.multi_reduction <maximumf>, %get3A_46, %reduce_max3A_47 [0] : vector<8x4096xf32> to vector<4096xf32>
    %broadcast_in_dim3A_49 = vector.shape_cast %reduce_max3A_48 : vector<4096xf32> to vector<1x4096xf32>
    %iota3A_50 = tpu.iota {dimensions = array<i32: 0>} : vector<8x4096xi32>
    %eq3A_51 = vector.broadcast %broadcast_in_dim3A_49 : vector<1x4096xf32> to vector<8x4096xf32>
    %eq3A_52 = arith.cmpf oeq, %get3A_46, %eq3A_51 : vector<8x4096xf32>
    %jit3A_53 = arith.constant 8 : i32
    %broadcast_in_dim3A_54 = vector.broadcast %jit3A_53 : i32 to vector<8x4096xi32>
    %select_n3A_55 = arith.select %eq3A_52, %iota3A_50, %broadcast_in_dim3A_54 : vector<8x4096xi1>, vector<8x4096xi32>
    %reduce_min3A_56 = arith.constant dense<2147483647> : vector<4096xi32>
    %reduce_min3A_57 = vector.multi_reduction <minsi>, %select_n3A_55, %reduce_min3A_56 [0] : vector<8x4096xi32> to vector<4096xi32>
    %broadcast_in_dim3A_58 = vector.shape_cast %reduce_min3A_57 : vector<4096xi32> to vector<1x4096xi32>
    %reduce_sum3A_59 = arith.constant dense<0.000000e+00> : vector<4096xf32>
    %reduce_sum3A_60 = vector.multi_reduction <add>, %get3A_46, %reduce_sum3A_59 [0] : vector<8x4096xf32> to vector<4096xf32>
    %broadcast_in_dim3A_61 = vector.shape_cast %reduce_sum3A_60 : vector<4096xf32> to vector<1x4096xf32>
    %gt3A_62 = arith.constant 0.000000e+00 : f32
    %gt3A_63 = vector.broadcast %gt3A_62 : f32 to vector<1x4096xf32>
    %gt3A_64 = arith.cmpf ogt, %broadcast_in_dim3A_61, %gt3A_63 : vector<1x4096xf32>
    %jit3A_65 = arith.constant 0 : i32
    %broadcast_in_dim3A_66 = vector.broadcast %jit3A_65 : i32 to vector<1x4096xi32>
    %select_n3A_67 = arith.select %gt3A_64, %broadcast_in_dim3A_58, %broadcast_in_dim3A_66 : vector<1x4096xi1>, vector<1x4096xi32>
    %eq3A_68 = vector.broadcast %select_n3A_67 : vector<1x4096xi32> to vector<8x4096xi32>
    %eq3A_69 = arith.cmpi eq, %iota3A_50, %eq3A_68 : vector<8x4096xi32>
    %convert_element_type3A_70 = arith.extui %eq3A_69 : vector<8x4096xi1> to vector<8x4096xi32>
    %convert_element_type3A_71 = arith.sitofp %convert_element_type3A_70 : vector<8x4096xi32> to vector<8x4096xf32>
    %swap3A_72 = arith.constant 0 : index
    %swap3A_73 = arith.constant 0 : index
    %swap3A_74 = vector.load %arg7[%swap3A_72, %swap3A_73] : memref<8x4096xf32, #tpu.memory_space<vmem>>, vector<8x4096xf32>
    tpu.vector_store %arg7[%swap3A_72, %swap3A_73], %convert_element_type3A_71 {strides = array<i32>} : memref<8x4096xf32, #tpu.memory_space<vmem>>, vector<8x4096xf32>,
    %iota3A_75 = tpu.iota {dimensions = array<i32: 0>} : vector<8x8xi32>
    %iota3A_76 = tpu.iota {dimensions = array<i32: 1>} : vector<8x8xi32>
    %eq3A_77 = arith.cmpi eq, %iota3A_75, %iota3A_76 : vector<8x8xi32>
    %jit3A_78 = arith.constant 0.000000e+00 : f32
    %broadcast_in_dim3A_79 = vector.broadcast %jit3A_78 : f32 to vector<8x8xf32>
    %select_n3A_80 = arith.select %eq3A_77, %mul3A_13, %broadcast_in_dim3A_79 : vector<8x8xi1>, vector<8x8xf32>
    %reduce_sum3A_81 = arith.constant dense<0.000000e+00> : vector<8xf32>
    %reduce_sum3A_82 = vector.multi_reduction <add>, %select_n3A_80, %reduce_sum3A_81 [1] : vector<8x8xf32> to vector<8xf32>
    %broadcast_in_dim3A_83 = vector.shape_cast %reduce_sum3A_82 : vector<8xf32> to vector<8x1xf32>
    %jit3A_84 = arith.constant 0.000000e+00 : f32
    %broadcast_in_dim3A_85 = vector.broadcast %jit3A_84 : f32 to vector<8x8xf32>
    %select_n3A_86 = arith.select %eq3A_77, %mul3A_17, %broadcast_in_dim3A_85 : vector<8x8xi1>, vector<8x8xf32>
    %reduce_sum3A_87 = arith.constant dense<0.000000e+00> : vector<8xf32>
    %reduce_sum3A_88 = vector.multi_reduction <add>, %select_n3A_86, %reduce_sum3A_87 [1] : vector<8x8xf32> to vector<8xf32>
    %broadcast_in_dim3A_89 = vector.shape_cast %reduce_sum3A_88 : vector<8xf32> to vector<8x1xf32>
    %dot_general3A_90 = arith.constant dense<0.000000e+00> : vector<4096x1xf32>
    %dot_general3A_91 = tpu.matmul %convert_element_type3A_35, %broadcast_in_dim3A_83, %dot_general3A_90 {dimension_numbers = #tpu.dot_dimension_numbers<[1], [0], [0], [1], [0, 0, 1, 1], [], []>, transpose_lhs_hint = false} : vector<4096x8xf32>, vector<8x1xf32>, vector<4096x1xf32> -> vector<4096x1xf32>
    %dot_general3A_92 = arith.constant dense<0.000000e+00> : vector<4096x1xf32>
    %dot_general3A_93 = tpu.matmul %convert_element_type3A_35, %broadcast_in_dim3A_89, %dot_general3A_92 {dimension_numbers = #tpu.dot_dimension_numbers<[1], [0], [0], [1], [0, 0, 1, 1], [], []>, transpose_lhs_hint = false} : vector<4096x8xf32>, vector<8x1xf32>, vector<4096x1xf32> -> vector<4096x1xf32>
    %mul3A_94 = arith.constant 0.060810063 : f32
    %mul3A_95 = vector.broadcast %mul3A_94 : f32 to vector<4096x1xf32>
    %mul3A_96 = arith.mulf %dot_general3A_91, %mul3A_95 : vector<4096x1xf32>
    %sub3A = arith.subf %mul3A_96, %dot_general3A_93 : vector<4096x1xf32>
    %mul3A_97 = arith.constant 0.060810063 : f32
    %mul3A_98 = vector.broadcast %mul3A_97 : f32 to vector<4096x1xf32>
    %mul3A_99 = arith.mulf %sub3A, %mul3A_98 : vector<4096x1xf32>
    %reduce_sum3A_100 = vector.shape_cast %mul3A_99 : vector<4096x1xf32> to vector<1x4096x1xf32>
    %reduce_sum3A_101 = arith.constant dense<0.000000e+00> : vector<1xf32>
    %reduce_sum3A_102 = vector.multi_reduction <add>, %reduce_sum3A_100, %reduce_sum3A_101 [1, 2] : vector<1x4096x1xf32> to vector<1xf32>
    %reduce_sum3A_103 = vector.shape_cast %reduce_sum3A_102 : vector<1xf32> to vector<1x1x1xf32>
    %reduce_sum3A_104 = vector.extract %reduce_sum3A_103[0, 0, 0] : f32 from vector<1x1x1xf32>
    %reshape3A = vector.broadcast %reduce_sum3A_104 : f32 to vector<1x1xf32>
    %swap3A_105 = arith.constant 0 : index
    %swap3A_106 = arith.constant 0 : index
    %swap3A_107 = vector.load %arg8[%swap3A_105, %swap3A_106] : memref<1x1xf32, #tpu.memory_space<vmem>>, vector<1x1xf32>
    tpu.vector_store %arg8[%swap3A_105, %swap3A_106], %reshape3A {strides = array<i32>} : memref<1x1xf32, #tpu.memory_space<vmem>>, vector<1x1xf32>,
    return
  }
}

module attributes {stable_mosaic.version = 14 : i64} {
  func.func @_tile_kernel(%arg0: i32, %arg1: memref<32x32xi32, #tpu.memory_space<smem>>, %arg2: memref<32xi32, #tpu.memory_space<smem>>, %arg3: memref<128x8xf32, #tpu.memory_space<vmem>>, %arg4: memref<128x8xf32, #tpu.memory_space<vmem>>, %arg5: memref<128x8xf32, #tpu.memory_space<vmem>>, %arg6: memref<32x8x128xf32, #tpu.memory_space<vmem>>, %arg7: memref<32x8x128xf32, #tpu.memory_space<vmem>>, %arg8: memref<1x1xf32, #tpu.memory_space<vmem>>) attributes {dimension_semantics = [#tpu.dimension_semantics<arbitrary>], iteration_bounds = array<i64: 32>, scalar_prefetch = 2 : i64, scratch_operands = 0 : i64, tpu.core_type = #tpu.core_type<tc>, window_params = [{transform_indices = @transform_0, window_bounds = array<i64: 128, 8>}, {transform_indices = @transform_1, window_bounds = array<i64: 128, 8>}, {transform_indices = @transform_2, window_bounds = array<i64: 128, 8>}, {pipeline_mode = #tpu.pipeline_mode<synchronous>, transform_indices = @transform_3, window_bounds = array<i64: 32, 8, 128>}, {pipeline_mode = #tpu.pipeline_mode<synchronous>, transform_indices = @transform_4, window_bounds = array<i64: 32, 8, 128>}, {pipeline_mode = #tpu.pipeline_mode<synchronous>, transform_indices = @transform_5, window_bounds = array<i64: 1, 1>}]} {
    %get3A = arith.constant 0 : index
    %get3A_0 = arith.constant 0 : index
    %get3A_1 = vector.load %arg3[%get3A, %get3A_0] : memref<128x8xf32, #tpu.memory_space<vmem>>, vector<128x8xf32>
    %get3A_2 = arith.constant 0 : index
    %get3A_3 = arith.constant 0 : index
    %get3A_4 = vector.load %arg4[%get3A_2, %get3A_3] : memref<128x8xf32, #tpu.memory_space<vmem>>, vector<128x8xf32>
    %get3A_5 = arith.constant 0 : index
    %get3A_6 = arith.constant 0 : index
    %get3A_7 = vector.load %arg5[%get3A_5, %get3A_6] : memref<128x8xf32, #tpu.memory_space<vmem>>, vector<128x8xf32>
    %get3A_8 = arith.index_cast %arg0 : i32 to index
    %get3A_9 = memref.load %arg2[%get3A_8] : memref<32xi32, #tpu.memory_space<smem>>
    %broadcast_in_dim3A = arith.constant 0.000000e+00 : f32
    %broadcast_in_dim3A_10 = vector.broadcast %broadcast_in_dim3A : f32 to vector<8x128xf32>
    %while3A = arith.constant 0 : i32
    %while3A_11 = arith.subi %get3A_9, %while3A : i32
    %while3A_12 = arith.addi %while3A, %while3A_11 : i32
    %while3A_13 = arith.constant 1 : i32
    %while3A_14 = arith.divsi %while3A_11, %while3A_13 : i32
    %while3A_15 = arith.muli %while3A_14, %while3A_13 : i32
    %while3A_16 = arith.addi %while3A, %while3A_15 : i32
    %while3A_17 = arith.constant 1 : i32
    %while3A_18 = scf.for %while3A_132 = %while3A to %while3A_16 step %while3A_17 iter_args(%while3A_133 = %broadcast_in_dim3A_10) -> (vector<8x128xf32>)  : i32 {
      %get3A_134 = arith.index_cast %arg0 : i32 to index
      %get3A_135 = arith.index_cast %while3A_132 : i32 to index
      %get3A_136 = memref.load %arg1[%get3A_134, %get3A_135] : memref<32x32xi32, #tpu.memory_space<smem>>
      %get3A_137 = arith.index_cast %get3A_136 : i32 to index
      %get3A_138 = arith.constant 0 : index
      %get3A_139 = arith.constant 0 : index
      %get3A_140 = vector.load %arg6[%get3A_137, %get3A_138, %get3A_139] : memref<32x8x128xf32, #tpu.memory_space<vmem>>, vector<1x8x128xf32>
      %get3A_141 = vector.shape_cast %get3A_140 : vector<1x8x128xf32> to vector<8x128xf32>
      %get3A_142 = arith.index_cast %get3A_136 : i32 to index
      %get3A_143 = arith.constant 0 : index
      %get3A_144 = arith.constant 0 : index
      %get3A_145 = vector.load %arg7[%get3A_142, %get3A_143, %get3A_144] : memref<32x8x128xf32, #tpu.memory_space<vmem>>, vector<1x8x128xf32>
      %get3A_146 = vector.shape_cast %get3A_145 : vector<1x8x128xf32> to vector<8x128xf32>
      %dot_general3A_147 = arith.constant dense<0.000000e+00> : vector<128x128xf32>
      %dot_general3A_148 = tpu.matmul %get3A_4, %get3A_146, %dot_general3A_147 {dimension_numbers = #tpu.dot_dimension_numbers<[1], [0], [0], [1], [0, 0, 1, 1], [], []>, transpose_lhs_hint = false} : vector<128x8xf32>, vector<8x128xf32>, vector<128x128xf32> -> vector<128x128xf32>
      %dot_general3A_149 = arith.constant dense<0.000000e+00> : vector<128x128xf32>
      %dot_general3A_150 = tpu.matmul %get3A_7, %get3A_146, %dot_general3A_149 {dimension_numbers = #tpu.dot_dimension_numbers<[1], [0], [0], [1], [0, 0, 1, 1], [], []>, transpose_lhs_hint = false} : vector<128x8xf32>, vector<8x128xf32>, vector<128x128xf32> -> vector<128x128xf32>
      %broadcast_in_dim3A_151 = arith.constant 0.000000e+00 : f32
      %broadcast_in_dim3A_152 = vector.broadcast %broadcast_in_dim3A_151 : f32 to vector<128x128xf32>
      %slice3A_153 = vector.extract_strided_slice %get3A_1 {offsets = [0, 0], sizes = [128, 1], strides = [1, 1]} : vector<128x8xf32> to vector<128x1xf32>
      %slice3A_154 = vector.extract_strided_slice %get3A_141 {offsets = [0, 0], sizes = [1, 128], strides = [1, 1]} : vector<8x128xf32> to vector<1x128xf32>
      %sub3A_155 = vector.broadcast %slice3A_153 : vector<128x1xf32> to vector<128x128xf32>
      %sub3A_156 = vector.broadcast %slice3A_154 : vector<1x128xf32> to vector<128x128xf32>
      %sub3A_157 = arith.subf %sub3A_155, %sub3A_156 : vector<128x128xf32>
      %mul3A_158 = arith.constant 1.000000e-01 : f32
      %mul3A_159 = vector.broadcast %mul3A_158 : f32 to vector<128x128xf32>
      %mul3A_160 = arith.mulf %sub3A_157, %mul3A_159 : vector<128x128xf32>
      %round3A_161 = math.roundeven %mul3A_160 : vector<128x128xf32>
      %mul3A_162 = arith.constant 1.000000e+01 : f32
      %mul3A_163 = vector.broadcast %mul3A_162 : f32 to vector<128x128xf32>
      %mul3A_164 = arith.mulf %mul3A_163, %round3A_161 : vector<128x128xf32>
      %sub3A_165 = arith.subf %sub3A_157, %mul3A_164 : vector<128x128xf32>
      %mul3A_166 = arith.mulf %sub3A_165, %sub3A_165 : vector<128x128xf32>
      %add3A_167 = arith.addf %broadcast_in_dim3A_152, %mul3A_166 : vector<128x128xf32>
      %slice3A_168 = vector.extract_strided_slice %get3A_1 {offsets = [0, 1], sizes = [128, 1], strides = [1, 1]} : vector<128x8xf32> to vector<128x1xf32>
      %slice3A_169 = vector.extract_strided_slice %get3A_141 {offsets = [1, 0], sizes = [1, 128], strides = [1, 1]} : vector<8x128xf32> to vector<1x128xf32>
      %sub3A_170 = vector.broadcast %slice3A_168 : vector<128x1xf32> to vector<128x128xf32>
      %sub3A_171 = vector.broadcast %slice3A_169 : vector<1x128xf32> to vector<128x128xf32>
      %sub3A_172 = arith.subf %sub3A_170, %sub3A_171 : vector<128x128xf32>
      %mul3A_173 = arith.constant 1.000000e-01 : f32
      %mul3A_174 = vector.broadcast %mul3A_173 : f32 to vector<128x128xf32>
      %mul3A_175 = arith.mulf %sub3A_172, %mul3A_174 : vector<128x128xf32>
      %round3A_176 = math.roundeven %mul3A_175 : vector<128x128xf32>
      %mul3A_177 = arith.constant 1.000000e+01 : f32
      %mul3A_178 = vector.broadcast %mul3A_177 : f32 to vector<128x128xf32>
      %mul3A_179 = arith.mulf %mul3A_178, %round3A_176 : vector<128x128xf32>
      %sub3A_180 = arith.subf %sub3A_172, %mul3A_179 : vector<128x128xf32>
      %mul3A_181 = arith.mulf %sub3A_180, %sub3A_180 : vector<128x128xf32>
      %add3A_182 = arith.addf %add3A_167, %mul3A_181 : vector<128x128xf32>
      %slice3A_183 = vector.extract_strided_slice %get3A_1 {offsets = [0, 2], sizes = [128, 1], strides = [1, 1]} : vector<128x8xf32> to vector<128x1xf32>
      %slice3A_184 = vector.extract_strided_slice %get3A_141 {offsets = [2, 0], sizes = [1, 128], strides = [1, 1]} : vector<8x128xf32> to vector<1x128xf32>
      %sub3A_185 = vector.broadcast %slice3A_183 : vector<128x1xf32> to vector<128x128xf32>
      %sub3A_186 = vector.broadcast %slice3A_184 : vector<1x128xf32> to vector<128x128xf32>
      %sub3A_187 = arith.subf %sub3A_185, %sub3A_186 : vector<128x128xf32>
      %mul3A_188 = arith.constant 1.000000e-01 : f32
      %mul3A_189 = vector.broadcast %mul3A_188 : f32 to vector<128x128xf32>
      %mul3A_190 = arith.mulf %sub3A_187, %mul3A_189 : vector<128x128xf32>
      %round3A_191 = math.roundeven %mul3A_190 : vector<128x128xf32>
      %mul3A_192 = arith.constant 1.000000e+01 : f32
      %mul3A_193 = vector.broadcast %mul3A_192 : f32 to vector<128x128xf32>
      %mul3A_194 = arith.mulf %mul3A_193, %round3A_191 : vector<128x128xf32>
      %sub3A_195 = arith.subf %sub3A_187, %mul3A_194 : vector<128x128xf32>
      %mul3A_196 = arith.mulf %sub3A_195, %sub3A_195 : vector<128x128xf32>
      %add3A_197 = arith.addf %add3A_182, %mul3A_196 : vector<128x128xf32>
      %gt3A_198 = arith.constant 0.000000e+00 : f32
      %gt3A_199 = vector.broadcast %gt3A_198 : f32 to vector<128x128xf32>
      %gt3A_200 = arith.cmpf ogt, %add3A_197, %gt3A_199 : vector<128x128xf32>
      %jit3A_201 = arith.constant 1.000000e+00 : f32
      %broadcast_in_dim3A_202 = vector.broadcast %jit3A_201 : f32 to vector<128x128xf32>
      %select_n3A_203 = arith.select %gt3A_200, %add3A_197, %broadcast_in_dim3A_202 : vector<128x128xi1>, vector<128x128xf32>
      %sqrt3A_204 = math.sqrt %select_n3A_203 : vector<128x128xf32>
      %mul3A_205 = arith.constant -2.800000e+00 : f32
      %mul3A_206 = vector.broadcast %mul3A_205 : f32 to vector<128x128xf32>
      %mul3A_207 = arith.mulf %mul3A_206, %sqrt3A_204 : vector<128x128xf32>
      %exp3A_208 = math.exp %mul3A_207 : vector<128x128xf32>
      %mul3A_209 = arith.mulf %sqrt3A_204, %sqrt3A_204 : vector<128x128xf32>
      %max3A_210 = arith.constant 2.890000e+00 : f32
      %max3A_211 = vector.broadcast %max3A_210 : f32 to vector<128x128xf32>
      %max3A_212 = arith.maximumf %mul3A_209, %max3A_211 : vector<128x128xf32>
      %min3A_213 = arith.constant 4.000000e+00 : f32
      %min3A_214 = vector.broadcast %min3A_213 : f32 to vector<128x128xf32>
      %min3A_215 = arith.minimumf %max3A_212, %min3A_214 : vector<128x128xf32>
      %sub3A_216 = arith.constant 4.000000e+00 : f32
      %sub3A_217 = vector.broadcast %sub3A_216 : f32 to vector<128x128xf32>
      %sub3A_218 = arith.subf %sub3A_217, %min3A_215 : vector<128x128xf32>
      %integer_pow3A_219 = arith.mulf %sub3A_218, %sub3A_218 : vector<128x128xf32>
      %mul3A_220 = arith.constant 2.000000e+00 : f32
      %mul3A_221 = vector.broadcast %mul3A_220 : f32 to vector<128x128xf32>
      %mul3A_222 = arith.mulf %mul3A_221, %min3A_215 : vector<128x128xf32>
      %add3A_223 = arith.constant 4.000000e+00 : f32
      %add3A_224 = vector.broadcast %add3A_223 : f32 to vector<128x128xf32>
      %add3A_225 = arith.addf %add3A_224, %mul3A_222 : vector<128x128xf32>
      %sub3A_226 = arith.constant 8.670000e+00 : f32
      %sub3A_227 = vector.broadcast %sub3A_226 : f32 to vector<128x128xf32>
      %sub3A_228 = arith.subf %add3A_225, %sub3A_227 : vector<128x128xf32>
      %mul3A_229 = arith.mulf %integer_pow3A_219, %sub3A_228 : vector<128x128xf32>
      %mul3A_230 = arith.constant 0.731191397 : f32
      %mul3A_231 = vector.broadcast %mul3A_230 : f32 to vector<128x128xf32>
      %mul3A_232 = arith.mulf %mul3A_229, %mul3A_231 : vector<128x128xf32>
      %mul3A_233 = arith.mulf %dot_general3A_148, %exp3A_208 : vector<128x128xf32>
      %sub3A_234 = arith.subf %mul3A_233, %dot_general3A_150 : vector<128x128xf32>
      %mul3A_235 = arith.mulf %exp3A_208, %mul3A_232 : vector<128x128xf32>
      %mul3A_236 = arith.mulf %sub3A_234, %mul3A_235 : vector<128x128xf32>
      %reshape3A_237 = vector.shape_cast %mul3A_236 : vector<128x128xf32> to vector<16x8x128xf32>
      %reduce_sum3A_238 = arith.constant dense<0.000000e+00> : vector<8x128xf32>
      %reduce_sum3A_239 = vector.multi_reduction <add>, %reshape3A_237, %reduce_sum3A_238 [0] : vector<16x8x128xf32> to vector<8x128xf32>
      %add3A_240 = arith.addf %while3A_133, %reduce_sum3A_239 : vector<8x128xf32>
      scf.yield %add3A_240 : vector<8x128xf32>
    }
    %while3A_19 = arith.constant 1 : i32
    %while3A_20 = scf.for %while3A_132 = %while3A_16 to %while3A_12 step %while3A_19 iter_args(%while3A_133 = %while3A_18) -> (vector<8x128xf32>)  : i32 {
      %get3A_134 = arith.index_cast %arg0 : i32 to index
      %get3A_135 = arith.index_cast %while3A_132 : i32 to index
      %get3A_136 = memref.load %arg1[%get3A_134, %get3A_135] : memref<32x32xi32, #tpu.memory_space<smem>>
      %get3A_137 = arith.index_cast %get3A_136 : i32 to index
      %get3A_138 = arith.constant 0 : index
      %get3A_139 = arith.constant 0 : index
      %get3A_140 = vector.load %arg6[%get3A_137, %get3A_138, %get3A_139] : memref<32x8x128xf32, #tpu.memory_space<vmem>>, vector<1x8x128xf32>
      %get3A_141 = vector.shape_cast %get3A_140 : vector<1x8x128xf32> to vector<8x128xf32>
      %get3A_142 = arith.index_cast %get3A_136 : i32 to index
      %get3A_143 = arith.constant 0 : index
      %get3A_144 = arith.constant 0 : index
      %get3A_145 = vector.load %arg7[%get3A_142, %get3A_143, %get3A_144] : memref<32x8x128xf32, #tpu.memory_space<vmem>>, vector<1x8x128xf32>
      %get3A_146 = vector.shape_cast %get3A_145 : vector<1x8x128xf32> to vector<8x128xf32>
      %dot_general3A_147 = arith.constant dense<0.000000e+00> : vector<128x128xf32>
      %dot_general3A_148 = tpu.matmul %get3A_4, %get3A_146, %dot_general3A_147 {dimension_numbers = #tpu.dot_dimension_numbers<[1], [0], [0], [1], [0, 0, 1, 1], [], []>, transpose_lhs_hint = false} : vector<128x8xf32>, vector<8x128xf32>, vector<128x128xf32> -> vector<128x128xf32>
      %dot_general3A_149 = arith.constant dense<0.000000e+00> : vector<128x128xf32>
      %dot_general3A_150 = tpu.matmul %get3A_7, %get3A_146, %dot_general3A_149 {dimension_numbers = #tpu.dot_dimension_numbers<[1], [0], [0], [1], [0, 0, 1, 1], [], []>, transpose_lhs_hint = false} : vector<128x8xf32>, vector<8x128xf32>, vector<128x128xf32> -> vector<128x128xf32>
      %broadcast_in_dim3A_151 = arith.constant 0.000000e+00 : f32
      %broadcast_in_dim3A_152 = vector.broadcast %broadcast_in_dim3A_151 : f32 to vector<128x128xf32>
      %slice3A_153 = vector.extract_strided_slice %get3A_1 {offsets = [0, 0], sizes = [128, 1], strides = [1, 1]} : vector<128x8xf32> to vector<128x1xf32>
      %slice3A_154 = vector.extract_strided_slice %get3A_141 {offsets = [0, 0], sizes = [1, 128], strides = [1, 1]} : vector<8x128xf32> to vector<1x128xf32>
      %sub3A_155 = vector.broadcast %slice3A_153 : vector<128x1xf32> to vector<128x128xf32>
      %sub3A_156 = vector.broadcast %slice3A_154 : vector<1x128xf32> to vector<128x128xf32>
      %sub3A_157 = arith.subf %sub3A_155, %sub3A_156 : vector<128x128xf32>
      %mul3A_158 = arith.constant 1.000000e-01 : f32
      %mul3A_159 = vector.broadcast %mul3A_158 : f32 to vector<128x128xf32>
      %mul3A_160 = arith.mulf %sub3A_157, %mul3A_159 : vector<128x128xf32>
      %round3A_161 = math.roundeven %mul3A_160 : vector<128x128xf32>
      %mul3A_162 = arith.constant 1.000000e+01 : f32
      %mul3A_163 = vector.broadcast %mul3A_162 : f32 to vector<128x128xf32>
      %mul3A_164 = arith.mulf %mul3A_163, %round3A_161 : vector<128x128xf32>
      %sub3A_165 = arith.subf %sub3A_157, %mul3A_164 : vector<128x128xf32>
      %mul3A_166 = arith.mulf %sub3A_165, %sub3A_165 : vector<128x128xf32>
      %add3A_167 = arith.addf %broadcast_in_dim3A_152, %mul3A_166 : vector<128x128xf32>
      %slice3A_168 = vector.extract_strided_slice %get3A_1 {offsets = [0, 1], sizes = [128, 1], strides = [1, 1]} : vector<128x8xf32> to vector<128x1xf32>
      %slice3A_169 = vector.extract_strided_slice %get3A_141 {offsets = [1, 0], sizes = [1, 128], strides = [1, 1]} : vector<8x128xf32> to vector<1x128xf32>
      %sub3A_170 = vector.broadcast %slice3A_168 : vector<128x1xf32> to vector<128x128xf32>
      %sub3A_171 = vector.broadcast %slice3A_169 : vector<1x128xf32> to vector<128x128xf32>
      %sub3A_172 = arith.subf %sub3A_170, %sub3A_171 : vector<128x128xf32>
      %mul3A_173 = arith.constant 1.000000e-01 : f32
      %mul3A_174 = vector.broadcast %mul3A_173 : f32 to vector<128x128xf32>
      %mul3A_175 = arith.mulf %sub3A_172, %mul3A_174 : vector<128x128xf32>
      %round3A_176 = math.roundeven %mul3A_175 : vector<128x128xf32>
      %mul3A_177 = arith.constant 1.000000e+01 : f32
      %mul3A_178 = vector.broadcast %mul3A_177 : f32 to vector<128x128xf32>
      %mul3A_179 = arith.mulf %mul3A_178, %round3A_176 : vector<128x128xf32>
      %sub3A_180 = arith.subf %sub3A_172, %mul3A_179 : vector<128x128xf32>
      %mul3A_181 = arith.mulf %sub3A_180, %sub3A_180 : vector<128x128xf32>
      %add3A_182 = arith.addf %add3A_167, %mul3A_181 : vector<128x128xf32>
      %slice3A_183 = vector.extract_strided_slice %get3A_1 {offsets = [0, 2], sizes = [128, 1], strides = [1, 1]} : vector<128x8xf32> to vector<128x1xf32>
      %slice3A_184 = vector.extract_strided_slice %get3A_141 {offsets = [2, 0], sizes = [1, 128], strides = [1, 1]} : vector<8x128xf32> to vector<1x128xf32>
      %sub3A_185 = vector.broadcast %slice3A_183 : vector<128x1xf32> to vector<128x128xf32>
      %sub3A_186 = vector.broadcast %slice3A_184 : vector<1x128xf32> to vector<128x128xf32>
      %sub3A_187 = arith.subf %sub3A_185, %sub3A_186 : vector<128x128xf32>
      %mul3A_188 = arith.constant 1.000000e-01 : f32
      %mul3A_189 = vector.broadcast %mul3A_188 : f32 to vector<128x128xf32>
      %mul3A_190 = arith.mulf %sub3A_187, %mul3A_189 : vector<128x128xf32>
      %round3A_191 = math.roundeven %mul3A_190 : vector<128x128xf32>
      %mul3A_192 = arith.constant 1.000000e+01 : f32
      %mul3A_193 = vector.broadcast %mul3A_192 : f32 to vector<128x128xf32>
      %mul3A_194 = arith.mulf %mul3A_193, %round3A_191 : vector<128x128xf32>
      %sub3A_195 = arith.subf %sub3A_187, %mul3A_194 : vector<128x128xf32>
      %mul3A_196 = arith.mulf %sub3A_195, %sub3A_195 : vector<128x128xf32>
      %add3A_197 = arith.addf %add3A_182, %mul3A_196 : vector<128x128xf32>
      %gt3A_198 = arith.constant 0.000000e+00 : f32
      %gt3A_199 = vector.broadcast %gt3A_198 : f32 to vector<128x128xf32>
      %gt3A_200 = arith.cmpf ogt, %add3A_197, %gt3A_199 : vector<128x128xf32>
      %jit3A_201 = arith.constant 1.000000e+00 : f32
      %broadcast_in_dim3A_202 = vector.broadcast %jit3A_201 : f32 to vector<128x128xf32>
      %select_n3A_203 = arith.select %gt3A_200, %add3A_197, %broadcast_in_dim3A_202 : vector<128x128xi1>, vector<128x128xf32>
      %sqrt3A_204 = math.sqrt %select_n3A_203 : vector<128x128xf32>
      %mul3A_205 = arith.constant -2.800000e+00 : f32
      %mul3A_206 = vector.broadcast %mul3A_205 : f32 to vector<128x128xf32>
      %mul3A_207 = arith.mulf %mul3A_206, %sqrt3A_204 : vector<128x128xf32>
      %exp3A_208 = math.exp %mul3A_207 : vector<128x128xf32>
      %mul3A_209 = arith.mulf %sqrt3A_204, %sqrt3A_204 : vector<128x128xf32>
      %max3A_210 = arith.constant 2.890000e+00 : f32
      %max3A_211 = vector.broadcast %max3A_210 : f32 to vector<128x128xf32>
      %max3A_212 = arith.maximumf %mul3A_209, %max3A_211 : vector<128x128xf32>
      %min3A_213 = arith.constant 4.000000e+00 : f32
      %min3A_214 = vector.broadcast %min3A_213 : f32 to vector<128x128xf32>
      %min3A_215 = arith.minimumf %max3A_212, %min3A_214 : vector<128x128xf32>
      %sub3A_216 = arith.constant 4.000000e+00 : f32
      %sub3A_217 = vector.broadcast %sub3A_216 : f32 to vector<128x128xf32>
      %sub3A_218 = arith.subf %sub3A_217, %min3A_215 : vector<128x128xf32>
      %integer_pow3A_219 = arith.mulf %sub3A_218, %sub3A_218 : vector<128x128xf32>
      %mul3A_220 = arith.constant 2.000000e+00 : f32
      %mul3A_221 = vector.broadcast %mul3A_220 : f32 to vector<128x128xf32>
      %mul3A_222 = arith.mulf %mul3A_221, %min3A_215 : vector<128x128xf32>
      %add3A_223 = arith.constant 4.000000e+00 : f32
      %add3A_224 = vector.broadcast %add3A_223 : f32 to vector<128x128xf32>
      %add3A_225 = arith.addf %add3A_224, %mul3A_222 : vector<128x128xf32>
      %sub3A_226 = arith.constant 8.670000e+00 : f32
      %sub3A_227 = vector.broadcast %sub3A_226 : f32 to vector<128x128xf32>
      %sub3A_228 = arith.subf %add3A_225, %sub3A_227 : vector<128x128xf32>
      %mul3A_229 = arith.mulf %integer_pow3A_219, %sub3A_228 : vector<128x128xf32>
      %mul3A_230 = arith.constant 0.731191397 : f32
      %mul3A_231 = vector.broadcast %mul3A_230 : f32 to vector<128x128xf32>
      %mul3A_232 = arith.mulf %mul3A_229, %mul3A_231 : vector<128x128xf32>
      %mul3A_233 = arith.mulf %dot_general3A_148, %exp3A_208 : vector<128x128xf32>
      %sub3A_234 = arith.subf %mul3A_233, %dot_general3A_150 : vector<128x128xf32>
      %mul3A_235 = arith.mulf %exp3A_208, %mul3A_232 : vector<128x128xf32>
      %mul3A_236 = arith.mulf %sub3A_234, %mul3A_235 : vector<128x128xf32>
      %reshape3A_237 = vector.shape_cast %mul3A_236 : vector<128x128xf32> to vector<16x8x128xf32>
      %reduce_sum3A_238 = arith.constant dense<0.000000e+00> : vector<8x128xf32>
      %reduce_sum3A_239 = vector.multi_reduction <add>, %reshape3A_237, %reduce_sum3A_238 [0] : vector<16x8x128xf32> to vector<8x128xf32>
      %add3A_240 = arith.addf %while3A_133, %reduce_sum3A_239 : vector<8x128xf32>
      scf.yield %add3A_240 : vector<8x128xf32>
    }
    %get3A_21 = arith.index_cast %arg0 : i32 to index
    %get3A_22 = arith.constant 0 : index
    %get3A_23 = arith.constant 0 : index
    %get3A_24 = vector.load %arg6[%get3A_21, %get3A_22, %get3A_23] : memref<32x8x128xf32, #tpu.memory_space<vmem>>, vector<1x8x128xf32>
    %get3A_25 = vector.shape_cast %get3A_24 : vector<1x8x128xf32> to vector<8x128xf32>
    %get3A_26 = arith.index_cast %arg0 : i32 to index
    %get3A_27 = arith.constant 0 : index
    %get3A_28 = arith.constant 0 : index
    %get3A_29 = vector.load %arg7[%get3A_26, %get3A_27, %get3A_28] : memref<32x8x128xf32, #tpu.memory_space<vmem>>, vector<1x8x128xf32>
    %get3A_30 = vector.shape_cast %get3A_29 : vector<1x8x128xf32> to vector<8x128xf32>
    %dot_general3A = arith.constant dense<0.000000e+00> : vector<128x128xf32>
    %dot_general3A_31 = tpu.matmul %get3A_4, %get3A_30, %dot_general3A {dimension_numbers = #tpu.dot_dimension_numbers<[1], [0], [0], [1], [0, 0, 1, 1], [], []>, transpose_lhs_hint = false} : vector<128x8xf32>, vector<8x128xf32>, vector<128x128xf32> -> vector<128x128xf32>
    %dot_general3A_32 = arith.constant dense<0.000000e+00> : vector<128x128xf32>
    %dot_general3A_33 = tpu.matmul %get3A_7, %get3A_30, %dot_general3A_32 {dimension_numbers = #tpu.dot_dimension_numbers<[1], [0], [0], [1], [0, 0, 1, 1], [], []>, transpose_lhs_hint = false} : vector<128x8xf32>, vector<8x128xf32>, vector<128x128xf32> -> vector<128x128xf32>
    %broadcast_in_dim3A_34 = arith.constant 0.000000e+00 : f32
    %broadcast_in_dim3A_35 = vector.broadcast %broadcast_in_dim3A_34 : f32 to vector<128x128xf32>
    %slice3A = vector.extract_strided_slice %get3A_1 {offsets = [0, 0], sizes = [128, 1], strides = [1, 1]} : vector<128x8xf32> to vector<128x1xf32>
    %slice3A_36 = vector.extract_strided_slice %get3A_25 {offsets = [0, 0], sizes = [1, 128], strides = [1, 1]} : vector<8x128xf32> to vector<1x128xf32>
    %sub3A = vector.broadcast %slice3A : vector<128x1xf32> to vector<128x128xf32>
    %sub3A_37 = vector.broadcast %slice3A_36 : vector<1x128xf32> to vector<128x128xf32>
    %sub3A_38 = arith.subf %sub3A, %sub3A_37 : vector<128x128xf32>
    %mul3A = arith.constant 1.000000e-01 : f32
    %mul3A_39 = vector.broadcast %mul3A : f32 to vector<128x128xf32>
    %mul3A_40 = arith.mulf %sub3A_38, %mul3A_39 : vector<128x128xf32>
    %round3A = math.roundeven %mul3A_40 : vector<128x128xf32>
    %mul3A_41 = arith.constant 1.000000e+01 : f32
    %mul3A_42 = vector.broadcast %mul3A_41 : f32 to vector<128x128xf32>
    %mul3A_43 = arith.mulf %mul3A_42, %round3A : vector<128x128xf32>
    %sub3A_44 = arith.subf %sub3A_38, %mul3A_43 : vector<128x128xf32>
    %mul3A_45 = arith.mulf %sub3A_44, %sub3A_44 : vector<128x128xf32>
    %add3A = arith.addf %broadcast_in_dim3A_35, %mul3A_45 : vector<128x128xf32>
    %slice3A_46 = vector.extract_strided_slice %get3A_1 {offsets = [0, 1], sizes = [128, 1], strides = [1, 1]} : vector<128x8xf32> to vector<128x1xf32>
    %slice3A_47 = vector.extract_strided_slice %get3A_25 {offsets = [1, 0], sizes = [1, 128], strides = [1, 1]} : vector<8x128xf32> to vector<1x128xf32>
    %sub3A_48 = vector.broadcast %slice3A_46 : vector<128x1xf32> to vector<128x128xf32>
    %sub3A_49 = vector.broadcast %slice3A_47 : vector<1x128xf32> to vector<128x128xf32>
    %sub3A_50 = arith.subf %sub3A_48, %sub3A_49 : vector<128x128xf32>
    %mul3A_51 = arith.constant 1.000000e-01 : f32
    %mul3A_52 = vector.broadcast %mul3A_51 : f32 to vector<128x128xf32>
    %mul3A_53 = arith.mulf %sub3A_50, %mul3A_52 : vector<128x128xf32>
    %round3A_54 = math.roundeven %mul3A_53 : vector<128x128xf32>
    %mul3A_55 = arith.constant 1.000000e+01 : f32
    %mul3A_56 = vector.broadcast %mul3A_55 : f32 to vector<128x128xf32>
    %mul3A_57 = arith.mulf %mul3A_56, %round3A_54 : vector<128x128xf32>
    %sub3A_58 = arith.subf %sub3A_50, %mul3A_57 : vector<128x128xf32>
    %mul3A_59 = arith.mulf %sub3A_58, %sub3A_58 : vector<128x128xf32>
    %add3A_60 = arith.addf %add3A, %mul3A_59 : vector<128x128xf32>
    %slice3A_61 = vector.extract_strided_slice %get3A_1 {offsets = [0, 2], sizes = [128, 1], strides = [1, 1]} : vector<128x8xf32> to vector<128x1xf32>
    %slice3A_62 = vector.extract_strided_slice %get3A_25 {offsets = [2, 0], sizes = [1, 128], strides = [1, 1]} : vector<8x128xf32> to vector<1x128xf32>
    %sub3A_63 = vector.broadcast %slice3A_61 : vector<128x1xf32> to vector<128x128xf32>
    %sub3A_64 = vector.broadcast %slice3A_62 : vector<1x128xf32> to vector<128x128xf32>
    %sub3A_65 = arith.subf %sub3A_63, %sub3A_64 : vector<128x128xf32>
    %mul3A_66 = arith.constant 1.000000e-01 : f32
    %mul3A_67 = vector.broadcast %mul3A_66 : f32 to vector<128x128xf32>
    %mul3A_68 = arith.mulf %sub3A_65, %mul3A_67 : vector<128x128xf32>
    %round3A_69 = math.roundeven %mul3A_68 : vector<128x128xf32>
    %mul3A_70 = arith.constant 1.000000e+01 : f32
    %mul3A_71 = vector.broadcast %mul3A_70 : f32 to vector<128x128xf32>
    %mul3A_72 = arith.mulf %mul3A_71, %round3A_69 : vector<128x128xf32>
    %sub3A_73 = arith.subf %sub3A_65, %mul3A_72 : vector<128x128xf32>
    %mul3A_74 = arith.mulf %sub3A_73, %sub3A_73 : vector<128x128xf32>
    %add3A_75 = arith.addf %add3A_60, %mul3A_74 : vector<128x128xf32>
    %gt3A = arith.constant 0.000000e+00 : f32
    %gt3A_76 = vector.broadcast %gt3A : f32 to vector<128x128xf32>
    %gt3A_77 = arith.cmpf ogt, %add3A_75, %gt3A_76 : vector<128x128xf32>
    %jit3A = arith.constant 1.000000e+00 : f32
    %broadcast_in_dim3A_78 = vector.broadcast %jit3A : f32 to vector<128x128xf32>
    %select_n3A = arith.select %gt3A_77, %add3A_75, %broadcast_in_dim3A_78 : vector<128x128xi1>, vector<128x128xf32>
    %sqrt3A = math.sqrt %select_n3A : vector<128x128xf32>
    %mul3A_79 = arith.constant -2.800000e+00 : f32
    %mul3A_80 = vector.broadcast %mul3A_79 : f32 to vector<128x128xf32>
    %mul3A_81 = arith.mulf %mul3A_80, %sqrt3A : vector<128x128xf32>
    %exp3A = math.exp %mul3A_81 : vector<128x128xf32>
    %mul3A_82 = arith.mulf %sqrt3A, %sqrt3A : vector<128x128xf32>
    %max3A = arith.constant 2.890000e+00 : f32
    %max3A_83 = vector.broadcast %max3A : f32 to vector<128x128xf32>
    %max3A_84 = arith.maximumf %mul3A_82, %max3A_83 : vector<128x128xf32>
    %min3A = arith.constant 4.000000e+00 : f32
    %min3A_85 = vector.broadcast %min3A : f32 to vector<128x128xf32>
    %min3A_86 = arith.minimumf %max3A_84, %min3A_85 : vector<128x128xf32>
    %sub3A_87 = arith.constant 4.000000e+00 : f32
    %sub3A_88 = vector.broadcast %sub3A_87 : f32 to vector<128x128xf32>
    %sub3A_89 = arith.subf %sub3A_88, %min3A_86 : vector<128x128xf32>
    %integer_pow3A = arith.mulf %sub3A_89, %sub3A_89 : vector<128x128xf32>
    %mul3A_90 = arith.constant 2.000000e+00 : f32
    %mul3A_91 = vector.broadcast %mul3A_90 : f32 to vector<128x128xf32>
    %mul3A_92 = arith.mulf %mul3A_91, %min3A_86 : vector<128x128xf32>
    %add3A_93 = arith.constant 4.000000e+00 : f32
    %add3A_94 = vector.broadcast %add3A_93 : f32 to vector<128x128xf32>
    %add3A_95 = arith.addf %add3A_94, %mul3A_92 : vector<128x128xf32>
    %sub3A_96 = arith.constant 8.670000e+00 : f32
    %sub3A_97 = vector.broadcast %sub3A_96 : f32 to vector<128x128xf32>
    %sub3A_98 = arith.subf %add3A_95, %sub3A_97 : vector<128x128xf32>
    %mul3A_99 = arith.mulf %integer_pow3A, %sub3A_98 : vector<128x128xf32>
    %mul3A_100 = arith.constant 0.731191397 : f32
    %mul3A_101 = vector.broadcast %mul3A_100 : f32 to vector<128x128xf32>
    %mul3A_102 = arith.mulf %mul3A_99, %mul3A_101 : vector<128x128xf32>
    %mul3A_103 = arith.mulf %dot_general3A_31, %exp3A : vector<128x128xf32>
    %sub3A_104 = arith.subf %mul3A_103, %dot_general3A_33 : vector<128x128xf32>
    %mul3A_105 = arith.mulf %exp3A, %mul3A_102 : vector<128x128xf32>
    %mul3A_106 = arith.mulf %sub3A_104, %mul3A_105 : vector<128x128xf32>
    %reshape3A = vector.shape_cast %mul3A_106 : vector<128x128xf32> to vector<16x8x128xf32>
    %reduce_sum3A = arith.constant dense<0.000000e+00> : vector<8x128xf32>
    %reduce_sum3A_107 = vector.multi_reduction <add>, %reshape3A, %reduce_sum3A [0] : vector<16x8x128xf32> to vector<8x128xf32>
    %reduce_sum3A_108 = vector.shape_cast %reduce_sum3A_107 : vector<8x128xf32> to vector<1x8x128xf32>
    %reduce_sum3A_109 = arith.constant dense<0.000000e+00> : vector<1xf32>
    %reduce_sum3A_110 = vector.multi_reduction <add>, %reduce_sum3A_108, %reduce_sum3A_109 [1, 2] : vector<1x8x128xf32> to vector<1xf32>
    %reduce_sum3A_111 = vector.shape_cast %reduce_sum3A_110 : vector<1xf32> to vector<1x1x1xf32>
    %reduce_sum3A_112 = vector.extract %reduce_sum3A_111[0, 0, 0] : f32 from vector<1x1x1xf32>
    %reduce_sum3A_113 = vector.shape_cast %while3A_20 : vector<8x128xf32> to vector<1x8x128xf32>
    %reduce_sum3A_114 = arith.constant dense<0.000000e+00> : vector<1xf32>
    %reduce_sum3A_115 = vector.multi_reduction <add>, %reduce_sum3A_113, %reduce_sum3A_114 [1, 2] : vector<1x8x128xf32> to vector<1xf32>
    %reduce_sum3A_116 = vector.shape_cast %reduce_sum3A_115 : vector<1xf32> to vector<1x1x1xf32>
    %reduce_sum3A_117 = vector.extract %reduce_sum3A_116[0, 0, 0] : f32 from vector<1x1x1xf32>
    %mul3A_118 = arith.constant 2.000000e+00 : f32
    %mul3A_119 = arith.mulf %mul3A_118, %reduce_sum3A_117 : f32
    %add3A_120 = arith.addf %reduce_sum3A_112, %mul3A_119 : f32
    %mul3A_121 = arith.constant 5.000000e-01 : f32
    %mul3A_122 = arith.mulf %mul3A_121, %add3A_120 : f32
    %eq3A = arith.constant 0 : i32
    %eq3A_123 = arith.cmpi eq, %arg0, %eq3A : i32
    %convert_element_type3A = arith.extui %eq3A_123 : i1 to i32
    %cond3A = arith.constant 0 : i32
    %cond3A_124 = arith.cmpi ne, %convert_element_type3A, %cond3A : i32
    scf.if %cond3A_124 {
      %broadcast_in_dim3A_132 = arith.constant 0.000000e+00 : f32
      %broadcast_in_dim3A_133 = vector.broadcast %broadcast_in_dim3A_132 : f32 to vector<1x1xf32>
      %swap3A_134 = arith.constant 0 : index
      %swap3A_135 = arith.constant 0 : index
      %swap3A_136 = vector.load %arg8[%swap3A_134, %swap3A_135] : memref<1x1xf32, #tpu.memory_space<vmem>>, vector<1x1xf32>
      tpu.vector_store %arg8[%swap3A_134, %swap3A_135], %broadcast_in_dim3A_133 {strides = array<i32>} : memref<1x1xf32, #tpu.memory_space<vmem>>, vector<1x1xf32>,
    } else {
    }
    %get3A_125 = arith.constant 0 : index
    %get3A_126 = arith.constant 0 : index
    %get3A_127 = vector.load %arg8[%get3A_125, %get3A_126] : memref<1x1xf32, #tpu.memory_space<vmem>>, vector<1x1xf32>
    %reshape3A_128 = vector.broadcast %mul3A_122 : f32 to vector<1x1xf32>
    %add3A_129 = arith.addf %get3A_127, %reshape3A_128 : vector<1x1xf32>
    %swap3A = arith.constant 0 : index
    %swap3A_130 = arith.constant 0 : index
    %swap3A_131 = vector.load %arg8[%swap3A, %swap3A_130] : memref<1x1xf32, #tpu.memory_space<vmem>>, vector<1x1xf32>
    tpu.vector_store %arg8[%swap3A, %swap3A_130], %add3A_129 {strides = array<i32>} : memref<1x1xf32, #tpu.memory_space<vmem>>, vector<1x1xf32>,
    return
  }
  func.func @transform_0(%arg0: i32, %arg1: memref<32x32xi32, #tpu.memory_space<smem>>, %arg2: memref<32xi32, #tpu.memory_space<smem>>) -> (i32, i32) {
    %c0_i32 = arith.constant 0 : i32
    %c0_i32_0 = arith.constant 0 : i32
    return %arg0, %c0_i32 : i32, i32
  }
  func.func @transform_1(%arg0: i32, %arg1: memref<32x32xi32, #tpu.memory_space<smem>>, %arg2: memref<32xi32, #tpu.memory_space<smem>>) -> (i32, i32) {
    %c0_i32 = arith.constant 0 : i32
    %c0_i32_0 = arith.constant 0 : i32
    return %arg0, %c0_i32 : i32, i32
  }
  func.func @transform_2(%arg0: i32, %arg1: memref<32x32xi32, #tpu.memory_space<smem>>, %arg2: memref<32xi32, #tpu.memory_space<smem>>) -> (i32, i32) {
    %c0_i32 = arith.constant 0 : i32
    %c0_i32_0 = arith.constant 0 : i32
    return %arg0, %c0_i32 : i32, i32
  }
  func.func @transform_3(%arg0: i32, %arg1: memref<32x32xi32, #tpu.memory_space<smem>>, %arg2: memref<32xi32, #tpu.memory_space<smem>>) -> (i32, i32, i32) {
    %c0_i32 = arith.constant 0 : i32
    %c0_i32_0 = arith.constant 0 : i32
    %c0_i32_1 = arith.constant 0 : i32
    %c0_i32_2 = arith.constant 0 : i32
    return %c0_i32, %c0_i32_0, %c0_i32_1 : i32, i32, i32
  }
  func.func @transform_4(%arg0: i32, %arg1: memref<32x32xi32, #tpu.memory_space<smem>>, %arg2: memref<32xi32, #tpu.memory_space<smem>>) -> (i32, i32, i32) {
    %c0_i32 = arith.constant 0 : i32
    %c0_i32_0 = arith.constant 0 : i32
    %c0_i32_1 = arith.constant 0 : i32
    %c0_i32_2 = arith.constant 0 : i32
    return %c0_i32, %c0_i32_0, %c0_i32_1 : i32, i32, i32
  }
  func.func @transform_5(%arg0: i32, %arg1: memref<32x32xi32, #tpu.memory_space<smem>>, %arg2: memref<32xi32, #tpu.memory_space<smem>>) -> (i32, i32) {
    %c0_i32 = arith.constant 0 : i32
    %c0_i32_0 = arith.constant 0 : i32
    %c0_i32_1 = arith.constant 0 : i32
    return %c0_i32, %c0_i32_0 : i32, i32
  }
}

</mosaic_0001>

<sc_bundles>
// kernel: kernel.5.cloned.1.call-start
scs
__scs_entry_jumppad:
0x0: {  	(pc) =	sbr.rel $0x88, $3  }
0x1: {  	(tag) =	ssettag $0x0;
	lr =	simm.s32 $0x1  }
0x2: {  	[smem:$0x3F9D] =	sst lr;
	_ =	strace $0xD0000000  }
0x3: {  	_ = 	snop  }
0x4: {  	_ = 	snop  }
0x5: {  	_ = 	snop  }
0x6: {  	_ = 	snop  }
0x7: {  	_ = 	snop  }
__scs_overlays_trampoline_lowered:
0x8: {  	[smem:$0x3FAC] =	sst s0  }
0x9: {  	[smem:$0x3FAD] =	sst s1  }
0xa: {  	[smem:$0x3FAE] =	sst s2  }
0xb: {  	[smem:$0x3FAF] =	sst s3  }
0xc: {  	[smem:$0x3FB0] =	sst s4  }
0xd: {  	[smem:$0x3FB1] =	sst s5  }
0xe: {  	[smem:$0x3FB2] =	sst s6  }
0xf: {  	[smem:$0x3FB3] =	sst s7  }
0x10: {  	[smem:$0x3FB4] =	sst s8  }
0x11: {  	[smem:$0x3FB5] =	sst s9;
	s0 =	simm.s32 @!p0 $0x0  }
0x12: {  	s1 =	sld [smem:$0x3F9B];
	s0 =	simm.s32 @p0 $0x1  }
0x13: {  	[smem:$0x3FB6] =	sst s0;
	s0 =	simm.s32 @!p1 $0x0  }
0x14: {  	s2 =	sld [smem:$0x3F9A];
	s0 =	simm.s32 @p1 $0x1  }
0x15: {  	[smem:$0x3FB7] =	sst s0;
	s0 =	simm.s32 @!p2 $0x0  }
0x16: {  	s3 =	sld [smem:$0x3FDB];
	s0 =	simm.s32 @p2 $0x1  }
0x17: {  	s4 =	simm.s32 $0x1BF5;
	[smem:$0x3FB9] =	sst s0  }
0x18: {  	s0 =	sld [smem:$0x3F9C];
	_ =	swait.ge [sflag:s4], $0x0  }
0x19: {  	s7 =	sld [smem:$0x3F9D]  }
0x1a: {  	s8 =	sadd.s32 $0xFFFFE003, lr  }
0x1b: {  	s9 =	sadd.s32 $0xFFFFFEF7, lr;
	s5 =	simm.s32 $0xFFFFFFFF;
	p2 =	slt.u32 s8, $0xFFFFF086  }
0x1c: {  	p1 =	slt.u32 s9, $0xF7A;
	s5 =	simm.s32 @!p2 $0x0  }
0x1d: {  	s5 =	simm.s32 @p1 $0x1;
	p0 =	seq.s32 s7, s2  }
0x1e: {  	s7 =	smul.u32 @!p0 $0xF7A, s2;
	p2 =	seq.s32 @!p0 s5, $0x0  }
0x1f: {  	s9 =	smul.u32 $0xF7A, s1;
	s8 =	simm.s32 @!p0 $0x1BF5;
	p2 =	por !p2, p0  }
0x20: {  	[sflag:s8] =	ssyncset.s32 @!p0 $0xFFFFF086;
	s6 =	sadd.s32 @!p0 s3, s7;
	s7 =	simm.s32 @!p0 $0x108  }
0x21: {  	s3 =	sadd.s32 s3, s9;
	s6 =	sadd.s32 @!p0 $0x88, s6;
	s7 =	simm.s32 @p2 $0x1082  }
0x22: {  	[simem:s7], [sflag:s8] =	dma.local @!p0 [hbm:s6], $0xF7A  }
0x23: {  	s9 =	sor.u32 $0xD0000000, s2;
	s6 =	simm.s32 $0x108;
	_ =	swait.ge @!p0 [sflag:s8], $0x0  }
0x24: {  	s3 =	sadd.s32 $0x88, s3;
	s6 =	simm.s32 @!p1 $0x1082;
	[sflag:s4] =	ssyncset.s32 $0xFFFFF086  }
0x25: {  	[simem:s6], [sflag:s4] =	dma.local [hbm:s3], $0xF7A  }
0x26: {  	[smem:$0x3F9D] =	sst s1;
	(tag) =	ssettag s2;
	_ =	strace s9  }
0x27: {  	s1 =	sld [smem:$0x3FAD]  }
0x28: {  	s2 =	sld [smem:$0x3FAE]  }
0x29: {  	s4 =	sld [smem:$0x3FB0]  }
0x2a: {  	p0 =	seq.s32 s5, $0x0;
	s5 =	sld [smem:$0x3FB1]  }
0x2b: {  	s6 =	sld [smem:$0x3FB2]  }
0x2c: {  	s7 =	sld [smem:$0x3FB3]  }
0x2d: {  	s3 =	simm.s32 $0x108;
	s8 =	sld [smem:$0x3FB4]  }
0x2e: {  	s3 =	simm.s32 @!p0 $0x1082;
	s9 =	sld [smem:$0x3FB5]  }
0x2f: {  	lr =	sadd.s32 s0, s3;
	s0 =	sld [smem:$0x3FAC]  }
0x30: {  	s3 =	sld [smem:$0x3FAF]  }
0x31: {  	[smem:$0x3FB8] =	sst s10  }
0x32: {  	s10 =	sld [smem:$0x3FB6];
	_ =	sdelay $0x3  }
0x33: {  	p0 =	seq.s32 s10, $0x1;
	s10 =	sld [smem:$0x3FB8];
	_ =	sdelay $0x3  }
0x34: {  	[smem:$0x3FB8] =	sst s10  }
0x35: {  	s10 =	sld [smem:$0x3FB7];
	_ =	sdelay $0x3  }
0x36: {  	p1 =	seq.s32 s10, $0x1;
	s10 =	sld [smem:$0x3FB8];
	_ =	sdelay $0x3  }
0x37: {  	[smem:$0x3FB8] =	sst s10  }
0x38: {  	s10 =	sld [smem:$0x3FB9]  }
0x39: {  	_ = 	snop;
	(pc) =	sbr.ind lr, $3  }
0x3a: {  	_ = 	snop  }
0x3b: {  	_ = 	snop  }
0x3c: {  	p2 =	seq.s32 s10, $0x1;
	s10 =	sld [smem:$0x3FB8]  }
0x3d: {  	_ =	shalt  }
0x3e: {  	_ =	shalt  }
0x3f: {  	_ =	shalt  }
0x40: {  	_ =	shalt  }
0x41: {  	_ =	shalt  }
0x42: {  	_ =	shalt  }
0x43: {  	_ =	shalt  }
0x44: {  	_ =	shalt  }
0x45: {  	_ =	shalt  }
0x46: {  	_ =	shalt  }
0x47: {  	_ =	shalt  }
0x48: {  	_ =	shalt  }
0x49: {  	_ =	shalt  }
0x4a: {  	_ =	shalt  }
0x4b: {  	_ =	shalt  }
0x4c: {  	_ =	shalt  }
0x4d: {  	_ =	shalt  }
0x4e: {  	_ =	shalt  }
0x4f: {  	_ =	shalt  }
0x50: {  	_ =	shalt  }
0x51: {  	_ =	shalt  }
0x52: {  	_ =	shalt  }
0x53: {  	_ =	shalt  }
0x54: {  	_ =	shalt  }
0x55: {  	_ =	shalt  }
0x56: {  	_ =	shalt  }
0x57: {  	_ =	shalt  }
0x58: {  	_ =	shalt  }
0x59: {  	_ =	shalt  }
0x5a: {  	_ =	shalt  }
0x5b: {  	_ =	shalt  }
0x5c: {  	_ =	shalt  }
0x5d: {  	_ =	shalt  }
0x5e: {  	_ =	shalt  }
0x5f: {  	_ =	shalt  }
0x60: {  	_ =	shalt  }
0x61: {  	_ =	shalt  }
0x62: {  	_ =	shalt  }
0x63: {  	_ =	shalt  }
0x64: {  	_ =	shalt  }
0x65: {  	_ =	shalt  }
0x66: {  	_ =	shalt  }
0x67: {  	_ =	shalt  }
0x68: {  	_ =	shalt  }
0x69: {  	_ =	shalt  }
0x6a: {  	_ =	shalt  }
0x6b: {  	_ =	shalt  }
0x6c: {  	_ =	shalt  }
0x6d: {  	_ =	shalt  }
0x6e: {  	_ =	shalt  }
0x6f: {  	_ =	shalt  }
0x70: {  	_ =	shalt  }
0x71: {  	_ =	shalt  }
0x72: {  	_ =	shalt  }
0x73: {  	_ =	shalt  }
0x74: {  	_ =	shalt  }
0x75: {  	_ =	shalt  }
0x76: {  	_ =	shalt  }
0x77: {  	_ =	shalt  }
0x78: {  	_ =	shalt  }
0x79: {  	_ =	shalt  }
0x7a: {  	_ =	shalt  }
0x7b: {  	_ =	shalt  }
0x7c: {  	_ =	shalt  }
0x7d: {  	_ =	shalt  }
0x7e: {  	_ =	shalt  }
0x7f: {  	_ =	shalt  }
0x80: {  	_ =	shalt  }
0x81: {  	_ =	shalt  }
0x82: {  	_ =	shalt  }
0x83: {  	_ =	shalt  }
0x84: {  	_ =	shalt  }
0x85: {  	_ =	shalt  }
0x86: {  	_ =	shalt  }
0x87: {  	_ =	shalt  }
.Lfunc_end0:
.L_simem_size_0:
called_computation_lowered:
.L_overlay_start_0:
0x88: {  	s2 =	sld [smem:$0x3FD9]  }
0x89: {  	s3 =	sld [smem:$0x3FFE];
	_ =	sdelay $0x1  }
0x8a: {  	s1 =	srdreg.scid  }
0x8b: {  	s0 =	sand.u32 $0x1, s1  }
0x8c: {  	s16 =	sshll.u32 s0, $0xA;
	s2 =	sadd.s32 s3, s2  }
0x8d: {  	s2 =	sadd.s32 s2, s16  }
0x8e: {  	[smem:$0x3FC4] =	sst s2  }
0x8f: {  	_ = 	snop  }
0x90: {  	(tm) =	ssettm $0x1  }
0x91: {  	s17 =	sld [smem:$0x3FFB];
	_ =	sdelay $0x3  }
0x92: {  	_ =	strace s17  }
0x93: {  	s2 =	sld [smem:$0x3FFC];
	_ =	sdelay $0x3  }
0x94: {  	_ =	strace s2  }
0x95: {  	s2 =	sld [smem:$0x3FFD];
	_ =	sdelay $0x3  }
0x96: {  	_ =	strace s2  }
0x97: {  	_ =	strace $0x8FFFFFFF  }
0x98: {  	s18 =	sld [smem:$0x3FDB];
	_ =	sdelay $0x1  }
0x99: {  	s19 =	simm.s32 $_scs_section_size  }
0x9a: {  	s4 =	simm.s32 $_size__tile_overlayer_lowered;
	s5 =	simm.s32 $_tile_overlayer_lowered  }
0x9b: {  	s22 =	simm.s32 $0x1BFF;
	s21 =	sshll.u32 s5, $0x1;
	s2 =	sadd.s32 s19, s18  }
0x9c: {  	s6 =	simm.s32 $0x0;
	s20 =	sshll.u32 s4, $0x1;
	s4 =	sadd.s32 s21, s2  }
0x9d: {  	[timem:s6], [sflag:s22] =	dma.local [hbm:s4], s20  }
0x9e: {  	_ =	swait.ge [sflag:s22], s20  }
0x9f: {  	s3 =	ssub.s32 $0x0, s20;
	[sflag:s22] =	ssyncset.done $0x0  }
0xa0: {  	[sflag:s22] =	ssyncadd.s32 s3;
	_ =	sdelay $0x1  }
0xa1: {  	s23 =	simm.s32 $0x1B8B  }
0xa2: {  	_ =	swait.ge [sflag:s23], $0x1  }
0xa3: {  	[sflag:s23] =	ssyncset.done $0x0  }
0xa4: {  	s25 =	simm.s32 $0x1B8E;
	s24 =	sld [smem:$0x3FFE];
	[sflag:s23] =	ssyncadd.s32 $0xFFFFFFFF  }
0xa5: {  	s26 =	simm.s32 $execute0_lowered;
	[smem:$0x3FD2] =	sst s25  }
0xa6: {  	s4 =	sshll.u32 s26, $0x1;
	_ =	strace $0x80000046;
	[dreg:$0x1] =	wrdreg $0xFFFFFFFF  }
0xa7: {  	s28 =	simm.s32 $_size_execute0_lowered;
	s2 =	sadd.s32 s2, s4;
	[dreg:$0x0] =	wrdreg $0x0  }
0xa8: {  	s4 =	sshll.u32 s28, $0x1;
	[dreg:$0x2] =	wrdreg s2  }
0xa9: {  	[dreg:$0x3] =	wrdreg s4  }
0xaa: {  	[dreg:$0x4] =	wrdreg $0xC0  }
0xab: {  	_ =	task [dreg:s6], $0x5FFFF  }
0xac: {  	[dreg:$0x1] =	wrdreg $0xFFFFFFFF  }
0xad: {  	[dreg:$0x0] =	wrdreg $0x60  }
0xae: {  	[dreg:$0x2] =	wrdreg s24  }
0xaf: {  	[dreg:$0x3] =	wrdreg $0x9  }
0xb0: {  	_ =	task.clear_ibuf [dreg:s6], $0x4FFFF;
	_ =	strace $0x90000046  }
0xb1: {  	s29 =	simm.s32 $0x9;
	_ =	strace $0x80000048  }
0xb2: {  	_ =	swait.ge [sflag:s29], $0x1  }
0xb3: {  	[sflag:s29] =	ssyncadd.s32 $0xFFFFFFFF  }
0xb4: {  	_ =	strace $0x90000048  }
0xb5: {  	_ =	sfence  }
0xb6: {  	s30 =	sld [smem:$0x0];
	_ =	sdelay $0x2  }
0xb7: {  	s31 =	sshll.u32 s1, $0xD;
	s1 =	sshrl.u32 s1, $0x2  }
0xb8: {  	s3 =	sand.u32 $0x4000, s31;
	s1 =	sadd.s32 s1, s30  }
0xb9: {  	s0 =	sor.u32 s3, s0;
	s1 =	sshll.u32 s1, $0x11  }
0xba: {  	s0 =	sor.u32 s1, s0  }
0xbb: {  	s0 =	sadd.s32 $0x8F2B, s0  }
0xbc: {  	[sflag:s0] =	ssyncadd.remote.s32 $0x1  }
0xbd: {  	_ =	sfence.sel $0xFFFF  }
0xbe: {  	[dreg:$0x0] =	wrdreg $0xFFFFFFFF;
	(pc) =	sbr.abs _section_cstart, $3  }
0xbf: {  	[dreg:$0x1] =	wrdreg $0xFFFFFFFF  }
0xc0: {  	_ =	task.clear_ibuf [dreg:s6], $0x2FFFF;
	_ =	strace $0x9FFFFFFF  }
0xc1: {  	(tm) =	ssettm $0x7FFFFFFF  }
tec
execute0_lowered:
.L_overlay_start_1:
0x0: {  	(tag) =	ssettag $0x1  }
0x1: {  	s1 =	srdreg.scid  }
0x2: {  	s0 =	stileid.u32;
	s6 =	sand.u32 $0x1, s1  }
0x3: {  	s31 =	sshll.u32 s0, $0x8;
	s3 =	sshll.u32 s6, $0x7  }
0x4: {  	s2 =	rddreg [dreg:$0x0];
	s8 =	sor.u32 s3, s31  }
0x5: {  	s1 =	rddreg [dreg:$0x1];
	s3 =	simm.s32 $0x0;
	s4 =	sshrl.u32 s8, $0x3  }
0x6: {  	s9 =	ssub.s32 $0x2, s6;
	[smem:$0x7FF] =	sst s3;
	s4 =	sadd.s32 s4, s2  }
0x7: {  	_ =	strace $0x80000047;
	s5 =	sadd.s32 $0x2200, s4;
	s4 =	simm.s32 $0x2  }
0x8: {  	[tilespmem:s3], [sflag:$0x2] =	stream.linear.gather [hbm4b:s5+s3], $0x80, $0x38;
	[tilespmem:$0x880] =	vst v63  }
0x9: {  	s10 =	sshrl.u32 s9, $0x1;
	_ =	swait.ge [sflag:s4], $0x80  }
0xa: {  	s7 =	simm.s32 $0x1;
	s9 =	ssub.s32 s9, s10;
	[sflag:s4] =	ssyncset.done $0x0  }
0xb: {  	s6 =	simm.s32 $0x80;
	s9 =	smax.u32 s9, $0x1;
	[sflag:s4] =	ssyncadd.s32 $0xFFFFFF80  }
0xc: {  	[tilespmem:s6], [sflag:$0x1] =	stream.indirect.gather [hbm4b:s2+s6], $0x10, s3, s6, $0xb8;
	[tilespmem:$0x880] =	vst v63  }
0xd: {  	s8 =	sshll.u32 s8, $0x1;
	p0 =	sne.s32 s9, $0x1;
	_ =	swait.ge [sflag:s7], $0x800  }
.Ltmp0:
0xe: {  	s8 =	sadd.s32 s8, s2;
	[sflag:s7] =	ssyncset.done $0x0;
	(pc) =	sbr.rel @!p0 .LBB2_2-.Ltmp0, $4  }
0xf: {  	s8 =	sadd.s32 $0x2400, s8;
	[sflag:s7] =	ssyncadd.s32 $0xFFFFF800  }
0x10: {  	[hbm4b:s8+s3] =	stream.linear.scatter [tilespmem:s6], [sflag:$0x2], $0x800, $0x38;
	[tilespmem:$0x880] =	vst v63  }
0x11: {  	_ =	swait.ge [sflag:s4], $0x800  }
0x12: {  	s9 =	sadd.s32 $0xFFFFFFFF, s9;
	[sflag:s4] =	ssyncset.done $0x0  }
.LBB2_1:
0x13: {  	p0 =	sne.s32 s9, $0x1;
	s9 =	sadd.s32 $0xFFFFFFFF, s9;
	[sflag:s4] =	ssyncadd.s32 $0xFFFFF800  }
0x14: {  	[tilespmem:s3], [sflag:$0x2] =	stream.linear.gather [hbm4b:s5+s3], $0x80, $0x38;
	[tilespmem:$0x880] =	vst v63  }
0x15: {  	_ =	swait.ge [sflag:s4], $0x80  }
0x16: {  	[sflag:s4] =	ssyncset.done $0x0  }
0x17: {  	[sflag:s4] =	ssyncadd.s32 $0xFFFFFF80  }
0x18: {  	[tilespmem:s6], [sflag:$0x1] =	stream.indirect.gather [hbm4b:s2+s6], $0x10, s3, s6, $0xb8;
	[tilespmem:$0x880] =	vst v63  }
0x19: {  	_ =	swait.ge [sflag:s7], $0x800  }
.Ltmp1:
0x1a: {  	[sflag:s7] =	ssyncset.done $0x0;
	(pc) =	sbr.rel @p0 .LBB2_1-.Ltmp1, $4  }
0x1b: {  	[sflag:s7] =	ssyncadd.s32 $0xFFFFF800  }
0x1c: {  	[hbm4b:s8+s3] =	stream.linear.scatter [tilespmem:s6], [sflag:$0x2], $0x800, $0x38;
	[tilespmem:$0x880] =	vst v63  }
0x1d: {  	_ =	swait.ge [sflag:s4], $0x800  }
0x1e: {  	[sflag:s4] =	ssyncset.done $0x0  }
.LBB2_2:
0x1f: {  	[sflag:s4] =	ssyncadd.s32 $0xFFFFF800  }
0x20: {  	_ =	sfence.sel $0x180000  }
0x21: {  	[bflag:$0x0] =	sbarrier.arrive $0xFFFF  }
0x22: {  	p0 =	sne.s32 s0, $0x0;
	_ =	strace $0x90000047  }
0x23: {  	s0 =	sadd.s32 @!p0 $0x100000, s1;
	[bflag:$0x2] =	sbarrier.arrive $0xFFFF  }
0x24: {  	[sflag:s0] =	ssyncadd.tile.s32 @!p0 $0x1;
	_ =	shalt  }
.Lfunc_end2:
_tile_overlayer_lowered:
.L_overlay_start_2:
0x25: {  	(tag) =	ssettag $0x2  }
0x26: {  	s0 =	rddreg [dreg:$0x0];
	s2 =	stileid.u32  }
0x27: {  	s1 =	rddreg [dreg:$0x1];
	p0 =	sne.s32 s2, $0x0  }
0x28: {  	s3 =	rddreg [dreg:$0x2];
	[bflag:$0x3] =	sbarrier.arrive $0xFFFF;
	s2 =	simm.s32 @!p0 $0x1C02  }
0x29: {  	[timem:s3], [sflag:s2] =	dma.local @!p0 [hbm:s0], s1  }
0x2a: {  	s0 =	simm.s32 @!p0 $0x2  }
0x2b: {  	_ =	swait.ge @!p0 [sflag:s0], s1  }
0x2c: {  	s1 =	ssub.s32 @!p0 $0x0, s1;
	[sflag:s0] =	ssyncset.done @!p0 $0x0  }
0x2d: {  	[sflag:s0] =	ssyncadd.s32 @!p0 s1  }
0x2e: {  	[bflag:$0x3] =	sbarrier.arrive $0xFFFF  }
0x2f: {  	_ =	shalt  }

</sc_bundles>
